<compile_context>
chip_gen: v7x
topology: tpu7x:2x2x1
jax: 0.10.2.dev20260603
libtpu: 0.0.44.dev20260713+nightly
codegen_flags: <defaults>
</compile_context>

<pallas_src>
import jax
import jax.numpy as jnp
from jax import lax
from jax.experimental import pallas as pl
from jax.experimental.pallas import tpu as pltpu
from jax.experimental.pallas import tpu_sc as plsc

N = 10000
E = 320000
RR = 5
EPC = E // RR
D = 128
DO = 64
B = 16384
NTILES = 16
ROWS_A = 640
ROWS_B = 400


def _sc_mesh():
    return plsc.VectorSubcoreMesh(core_axis_name="c", subcore_axis_name="s")


def _split_rows(sid, do_copy):
    @pl.when(sid < 15)
    def _main():
        do_copy(sid * ROWS_A, ROWS_A)

    @pl.when(sid == 15)
    def _tail():
        do_copy(15 * ROWS_A, ROWS_B)


def _degrees_sc(hist_hbm, ones_hbm, zeros_hbm, deg_hbm, shared, iv, ones_v, sems):
    cid = lax.axis_index("c")
    sid = lax.axis_index("s")
    pltpu.sync_copy(ones_hbm, ones_v)

    def zero_my(st, cnt):
        pltpu.sync_copy(zeros_hbm.at[pl.ds(0, cnt)],
                        shared.at[pl.ds(st, cnt)])
    _split_rows(sid, zero_my)
    plsc.subcore_barrier()

    NBK = 50
    BW = 80

    def wait_scat(buf):
        pltpu.make_async_copy(ones_v, shared.at[iv.at[buf]],
                              sems.at[buf]).wait()

    def hist_body(hl, carry):
        h = cid * 10 + hl
        base = pl.multiple_of(h * EPC + sid * (EPC // 16), 8)
        pltpu.sync_copy(hist_hbm.at[pl.ds(base, BW)], iv.at[0])

        def blk(k, c2):
            buf = lax.rem(k, 2)
            nbuf = lax.rem(k + 1, 2)
            pltpu.async_copy(ones_v, shared.at[iv.at[buf]], sems.at[buf],
                             add=True)

            @pl.when(k < NBK - 1)
            def _prefetch():
                @pl.when(k >= 1)
                def _drain():
                    wait_scat(nbuf)
                off = pl.multiple_of(base + (k + 1) * BW, 8)
                pltpu.sync_copy(hist_hbm.at[pl.ds(off, BW)], iv.at[nbuf])
            return c2
        lax.fori_loop(0, NBK, blk, 0)
        wait_scat(0)
        wait_scat(1)

        plsc.subcore_barrier()

        def out_my(st, cnt):
            pltpu.sync_copy(shared.at[pl.ds(st, cnt)],
                            deg_hbm.at[h, pl.ds(st, cnt)])
            pltpu.sync_copy(zeros_hbm.at[pl.ds(0, cnt)],
                            shared.at[pl.ds(st, cnt)])
        _split_rows(sid, out_my)
        plsc.subcore_barrier()
        return carry
    lax.fori_loop(0, 10, hist_body, 0)


def _segsum_sc(ftab_hbm, srcb_hbm, dstb_hbm, zeros_hbm, s_hbm,
               shared, sivb, divb, rows, gsem, ssem):
    cid = lax.axis_index("c")
    sid = lax.axis_index("s")

    def zero_my(start, cnt):
        pltpu.sync_copy(zeros_hbm.at[pl.ds(0, cnt)],
                        shared.at[pl.ds(start, cnt)])
    _split_rows(sid, zero_my)
    plsc.subcore_barrier()

    NBK = 50

    def chunk_body(hl, carry):
        q = cid * 5 + hl
        pltpu.sync_copy(srcb_hbm.at[q, sid], sivb)
        pltpu.sync_copy(dstb_hbm.at[q, sid], divb)

        def gather_start(k, buf):
            pltpu.async_copy(ftab_hbm.at[sivb.at[k]], rows.at[buf],
                             gsem.at[buf])

        def wait_scat(buf):
            pltpu.make_async_copy(rows.at[buf], shared.at[divb.at[0]],
                                  ssem.at[buf]).wait()

        gather_start(0, 0)

        def blk(k, c2):
            buf = lax.rem(k, 2)
            nbuf = lax.rem(k + 1, 2)

            @pl.when(k < NBK - 1)
            def _prefetch():
                @pl.when(k >= 1)
                def _drain():
                    wait_scat(nbuf)
                gather_start(k + 1, nbuf)

            pltpu.make_async_copy(ftab_hbm.at[sivb.at[k]], rows.at[buf],
                                  gsem.at[buf]).wait()
            pltpu.async_copy(rows.at[buf], shared.at[divb.at[k]],
                             ssem.at[buf], add=True)
            return c2
        lax.fori_loop(0, NBK, blk, 0)
        wait_scat(0)
        wait_scat(1)

        plsc.subcore_barrier()

        def out_my(start, cnt):
            pltpu.sync_copy(shared.at[pl.ds(start, cnt)],
                            s_hbm.at[q, pl.ds(start, cnt)])
            pltpu.sync_copy(zeros_hbm.at[pl.ds(0, cnt)],
                            shared.at[pl.ds(start, cnt)])
        _split_rows(sid, out_my)
        plsc.subcore_barrier()
        return carry
    lax.fori_loop(0, 5, chunk_body, 0)


def _pairgather_sc(uv_hbm, idx_hbm, out_hbm, iv, rows, sem):
    cid = lax.axis_index("c")
    sid = lax.axis_index("s")
    wid = cid * NTILES + sid

    def blk(k, carry):
        j = wid * 8 + k
        off = pl.multiple_of(j * 128, 128)
        pltpu.sync_copy(idx_hbm.at[pl.ds(off, 128)], iv)
        pltpu.async_copy(uv_hbm.at[iv], rows, sem).wait()
        pltpu.sync_copy(rows, out_hbm.at[pl.ds(off, 128)])
        return carry
    lax.fori_loop(0, 8, blk, 0)


def _prescale_tc(deg_ref, feats_ref, o_ref):
    d = deg_ref[0][:, :1]
    ci = lax.rsqrt(jnp.maximum(d, 1.0))
    o_ref[0] = feats_ref[0] * ci


def _combine_tc(s_ref, deg_ref, w_ref, wfc_ref, bfc_ref, o_ref):
    acc = jnp.zeros((2048, D), jnp.float32)
    for r in range(RR):
        d = deg_ref[r][:, :1]
        cj = lax.rsqrt(jnp.maximum(d, 1.0))
        acc = acc + jnp.dot(s_ref[r] * cj, w_ref[r],
                            preferred_element_type=jnp.float32)
    h = jnp.where(acc > 0, acc, 0.1 * acc)
    z = jnp.dot(h, wfc_ref[...], preferred_element_type=jnp.float32) + bfc_ref[0]
    z = jnp.where(z > 0, z, 0.1 * z)
    o_ref[0] = jnp.concatenate([z, jnp.zeros((2048, D - DO), jnp.float32)], axis=1)


def _decoder_tc(u_ref, v_ref, q_ref, a_ref, o_ref):
    u = u_ref[:, :DO]
    v = v_ref[:, :DO]
    b0 = jnp.sum(jnp.dot(u, q_ref[0], preferred_element_type=jnp.float32) * v,
                 axis=1)
    b1 = jnp.sum(jnp.dot(u, q_ref[1], preferred_element_type=jnp.float32) * v,
                 axis=1)
    o_ref[...] = b0[:, None] * a_ref[0][None, :] + b1[:, None] * a_ref[1][None, :]


def kernel(head_enc, tail_enc, ufeat, ifeat, head_id, tail_id, W, W_fc, b_fc,
           Q, a_comb):
    f32 = jnp.float32
    src_all = jnp.concatenate([head_enc[0], tail_enc[0]]).astype(jnp.int32)
    dst_all = jnp.concatenate([head_enc[1], tail_enc[1]]).astype(jnp.int32)
    qoff = jnp.repeat(jnp.arange(10, dtype=jnp.int32) * N, EPC)
    srcb = src_all + qoff
    dstb = dst_all
    hist_idx = jnp.concatenate([src_all, dst_all])
    feats = jnp.stack([ifeat, ufeat])
    zeros128 = jnp.zeros((ROWS_A, D), f32)
    ones80 = jnp.ones((80, D), f32)
    pair_idx = jnp.concatenate([head_id.astype(jnp.int32),
                                tail_id.astype(jnp.int32) + N])

    mesh = _sc_mesh()

    deg2 = pl.kernel(
        _degrees_sc,
        out_type=jax.ShapeDtypeStruct((20, N, D), f32),
        mesh=mesh,
        scratch_types=[
            pltpu.VMEM_SHARED((N, D), f32),
            pltpu.VMEM((2, 80), jnp.int32),
            pltpu.VMEM((80, D), f32),
            pltpu.SemaphoreType.DMA((2,)),
        ],
    )(hist_idx, ones80, zeros128)


    fscaled = pl.pallas_call(
        _prescale_tc,
        grid=(10, 5),
        in_specs=[
            pl.BlockSpec((1, 2048, D), lambda q, b: (q, b, 0)),
            pl.BlockSpec((1, 2048, D), lambda q, b: (q // 5, b, 0)),
        ],
        out_specs=pl.BlockSpec((1, 2048, D), lambda q, b: (q, b, 0)),
        out_shape=jax.ShapeDtypeStruct((10, N, D), f32),
    )(deg2, feats)

    S = pl.kernel(
        _segsum_sc,
        out_type=jax.ShapeDtypeStruct((10, N, D), f32),
        mesh=mesh,
        scratch_types=[
            pltpu.VMEM_SHARED((N, D), f32),
            pltpu.VMEM((50, 80), jnp.int32),
            pltpu.VMEM((50, 80), jnp.int32),
            pltpu.VMEM((2, 80, D), f32),
            pltpu.SemaphoreType.DMA((2,)),
            pltpu.SemaphoreType.DMA((2,)),
        ],
    )(fscaled.reshape(10 * N, D), srcb.reshape(10, 16, 50, 80),
      dstb.reshape(10, 16, 50, 80), zeros128)

    outs = pl.pallas_call(
        _combine_tc,
        grid=(2, 5),
        in_specs=[
            pl.BlockSpec((RR, 2048, D), lambda c, b: (c, b, 0)),
            pl.BlockSpec((RR, 2048, D), lambda c, b: (2 + c, b, 0)),
            pl.BlockSpec((RR, D, D), lambda c, b: (0, 0, 0)),
            pl.BlockSpec((D, DO), lambda c, b: (0, 0)),
            pl.BlockSpec((1, DO), lambda c, b: (0, 0)),
        ],
        out_specs=pl.BlockSpec((1, 2048, D), lambda c, b: (c, b, 0)),
        out_shape=jax.ShapeDtypeStruct((2, N, D), f32),
    )(S, deg2, W, W_fc, b_fc.reshape(1, DO))

    uv = pl.kernel(
        _pairgather_sc,
        out_type=jax.ShapeDtypeStruct((2 * B, D), f32),
        mesh=mesh,
        scratch_types=[
            pltpu.VMEM((128,), jnp.int32),
            pltpu.VMEM((128, D), f32),
            pltpu.SemaphoreType.DMA,
        ],
    )(outs.reshape(2 * N, D), pair_idx)

    pred = pl.pallas_call(
        _decoder_tc,
        grid=(8,),
        in_specs=[
            pl.BlockSpec((2048, D), lambda i: (i, 0)),
            pl.BlockSpec((2048, D), lambda i: (i + 8, 0)),
            pl.BlockSpec((2, DO, DO), lambda i: (0, 0, 0)),
            pl.BlockSpec((2, RR), lambda i: (0, 0)),
        ],
        out_specs=pl.BlockSpec((2048, RR), lambda i: (i, 0)),
        out_shape=jax.ShapeDtypeStruct((B, RR), f32),
    )(uv, uv, Q, a_comb)

    return pred

# --- scband reference (transcript-rebuilt; emitter-appended) ---
"""Pipeline reference for scband-net-2199023256244 (READ-ONLY COPY).

The authoritative reference and input builder live on the scoring server;
editing this copy changes nothing except your own understanding.
"""

import jax, jax.numpy as jnp
import numpy as np

N_USERS = 10000
N_ITEMS = 10000
E = 320000
D_IN = 128
D_AGG = 128
D_OUT = 64
R = 5
NB = 2
B = 16384


def _leaky(x):
    return jax.nn.leaky_relu(x, negative_slope=0.1)


def setup_inputs(seed: int = 0) -> dict:
    key = jax.random.key(seed)
    ks = jax.random.split(key, 12)
    head_enc = jax.random.randint(ks[0], (2, E), 0, N_USERS)   # row0: src item ids, row1: dst user ids
    tail_enc = jax.random.randint(ks[1], (2, E), 0, N_ITEMS)   # row0: src user ids, row1: dst item ids
    ufeat = jax.random.normal(ks[2], (N_USERS, D_IN), dtype=jnp.float32)
    ifeat = jax.random.normal(ks[3], (N_ITEMS, D_IN), dtype=jnp.float32)
    head_id = jax.random.randint(ks[4], (B,), 0, N_USERS)
    tail_id = jax.random.randint(ks[5], (B,), 0, N_ITEMS)
    # learned parameters (share_param=True: user/item GCN weights and dense layer shared)
    W = jax.random.normal(ks[6], (R, D_IN, D_AGG), dtype=jnp.float32) * (1.0 / np.sqrt(D_IN))
    W_fc = jax.random.normal(ks[7], (D_AGG, D_OUT), dtype=jnp.float32) * (1.0 / np.sqrt(D_AGG))
    b_fc = jnp.zeros((D_OUT,), dtype=jnp.float32)
    Q = jax.random.normal(ks[8], (NB, D_OUT, D_OUT), dtype=jnp.float32) * (1.0 / np.sqrt(D_OUT))
    a_comb = jax.random.normal(ks[9], (NB, R), dtype=jnp.float32) * (1.0 / np.sqrt(NB))
    return {"head_enc": head_enc, "tail_enc": tail_enc, "ufeat": ufeat, "ifeat": ifeat,
            "head_id": head_id, "tail_id": tail_id, "W": W, "W_fc": W_fc, "b_fc": b_fc,
            "Q": Q, "a_comb": a_comb}


def _gcmc_conv(edge_index, feat_src, n_src, n_dst, W):
    # edges partitioned into R equal contiguous chunks, one per rating value
    n_ratings = W.shape[0]
    e_total = edge_index.shape[1]
    e_per = e_total // n_ratings
    d_agg = W.shape[2]
    agg = jnp.zeros((n_dst, d_agg), dtype=feat_src.dtype)
    for r in range(n_ratings):
        src = edge_index[0, r * e_per:(r + 1) * e_per]
        dst = edge_index[1, r * e_per:(r + 1) * e_per]
        # node-level transform first (as in DGL GCMC), then gather per edge
        tsrc = feat_src @ W[r]
        deg_src = jnp.zeros((n_src,), dtype=jnp.float32).at[src].add(1.0)
        deg_dst = jnp.zeros((n_dst,), dtype=jnp.float32).at[dst].add(1.0)
        ci = 1.0 / jnp.sqrt(jnp.clip(deg_src, 1.0))
        cj = 1.0 / jnp.sqrt(jnp.clip(deg_dst, 1.0))
        m = tsrc[src] * ci[src][:, None]
        scat = jnp.zeros((n_dst, d_agg), dtype=feat_src.dtype).at[dst].add(m)
        agg = agg + scat * cj[:, None]   # agg_accum == 'sum'
    return agg


def reference(head_enc, tail_enc, ufeat, ifeat, head_id, tail_id, W, W_fc, b_fc, Q, a_comb):
    # encoder: items -> users and users -> items message passing
    user_agg = _gcmc_conv(head_enc, ifeat, N_ITEMS, N_USERS, W)
    movie_agg = _gcmc_conv(tail_enc, ufeat, N_USERS, N_ITEMS, W)
    user_out = _leaky(_leaky(user_agg) @ W_fc + b_fc)
    movie_out = _leaky(_leaky(movie_agg) @ W_fc + b_fc)
    # gather endpoint embeddings for the prediction pairs
    u = user_out[head_id]
    v = movie_out[tail_id]
    # bilinear decoder with basis decomposition: P_r = sum_b a[b,r] * Q_b
    basis = jnp.einsum('bi,kij,bj->bk', u, Q, v)
    pred_ratings = basis @ a_comb  # [B, R] logits over rating values
    return pred_ratings

if __name__ == "__main__":
    import jax
    _d = setup_inputs()
    print(jax.jit(kernel)(*tuple(_d.values())))

</pallas_src>

<mosaic_0001>
#map = affine_map<(d0, d1) -> (0, 0)>
#map1 = affine_map<(d0, d1) -> (0)>
module attributes {stable_mosaic.version = 14 : i64} {
  func.func @_pairgather_sc(%arg0: i32, %arg1: i32, %arg2: memref<20000x128xf32, #tpu.memory_space<hbm>>, %arg3: memref<32768xi32, #tpu.memory_space<hbm>>, %arg4: memref<32768x128xf32, #tpu.memory_space<hbm>>, %arg5: memref<128xi32, #tpu.memory_space<vmem>>, %arg6: memref<128x128xf32, #tpu.memory_space<vmem>>, %arg7: memref<!tpu.dma_semaphore, #tpu.memory_space<semaphore_mem>>) attributes {dimension_semantics = [#tpu.dimension_semantics<core_parallel>, #tpu.dimension_semantics<subcore_parallel>], iteration_bounds = array<i64: 2, 16>, scalar_prefetch = 0 : i64, scratch_operands = 3 : i64, tpu.core_type = #tpu.core_type<sc_vector_subcore>, window_params = [{transform_indices = #map}, {transform_indices = #map1}, {transform_indices = #map}]} {
    %mul3A = arith.constant 16 : i32
    %mul3A_0 = arith.muli %arg0, %mul3A : i32
    %add3A = arith.addi %mul3A_0, %arg1 : i32
    %scan3A = arith.constant 0 : i32
    %scan3A_1 = arith.constant 0 : i32
    %scan3A_2 = arith.constant 8 : i32
    %scan3A_3 = arith.addi %scan3A_1, %scan3A_2 : i32
    %scan3A_4 = arith.constant 1 : i32
    scf.for %scan3A_6 = %scan3A_1 to %scan3A_3 step %scan3A_4  : i32 {
      %mul3A_7 = arith.constant 8 : i32
      %mul3A_8 = arith.muli %add3A, %mul3A_7 : i32
      %add3A_9 = arith.addi %mul3A_8, %scan3A_6 : i32
      %mul3A_10 = arith.constant 128 : i32
      %mul3A_11 = arith.muli %add3A_9, %mul3A_10 : i32
      %multiple_of3A = tpu.assume_multiple %mul3A_11, 128 : i32
      "tpu.region"() ({
        %run_scoped3A = tpu.sem_alloc : memref<!tpu.dma_semaphore, #tpu.memory_space<semaphore_mem>>
        %dma_start3A_16 = tpu.memref_slice %arg3[%multiple_of3A] : memref<32768xi32, #tpu.memory_space<hbm>> -> memref<128xi32, #tpu.memory_space<hbm>>
        %dma_start3A_17 = tpu.memref_slice %arg3[%multiple_of3A] : memref<32768xi32, #tpu.memory_space<hbm>> -> memref<128xi32, #tpu.memory_space<hbm>>
        tpu.enqueue_dma source(%dma_start3A_17 : memref<128xi32, #tpu.memory_space<hbm>>) target(%arg5 : memref<128xi32, #tpu.memory_space<vmem>>) target_semaphore(%run_scoped3A : memref<!tpu.dma_semaphore, #tpu.memory_space<semaphore_mem>>)
        %dma_wait3A_18 = tpu.memref_slice %arg3[%multiple_of3A] : memref<32768xi32, #tpu.memory_space<hbm>> -> memref<128xi32, #tpu.memory_space<hbm>>
        %dma_wait3A_19 = tpu.memref_slice %arg3[%multiple_of3A] : memref<32768xi32, #tpu.memory_space<hbm>> -> memref<128xi32, #tpu.memory_space<hbm>>
        tpu.wait_dma2 semaphore(%run_scoped3A : memref<!tpu.dma_semaphore, #tpu.memory_space<semaphore_mem>>) src(%dma_wait3A_19 : memref<128xi32, #tpu.memory_space<hbm>>) dst(%arg5 : memref<128xi32, #tpu.memory_space<vmem>>)
        tpu.yield
      }) : () -> ()
      %dma_start3A = arith.constant 0 : i32
      %dma_start3A_12 = arith.constant 0 : i32
      %dma_start3A_13 = tpu.memref_slice %arg2[%dma_start3A, %dma_start3A_12] : memref<20000x128xf32, #tpu.memory_space<hbm>> -> memref<20000x128xf32, #tpu.memory_space<hbm>>
      tpu.enqueue_indirect_dma source(%dma_start3A_13 : memref<20000x128xf32, #tpu.memory_space<hbm>>) target(%arg6 : memref<128x128xf32, #tpu.memory_space<vmem>>) offsets(%arg5 : memref<128xi32, #tpu.memory_space<vmem>>) semaphore(%arg7 : memref<!tpu.dma_semaphore, #tpu.memory_space<semaphore_mem>>)
      %dma_wait3A = arith.constant 0 : i32
      %dma_wait3A_14 = arith.constant 0 : i32
      %dma_wait3A_15 = tpu.memref_slice %arg2[%dma_wait3A, %dma_wait3A_14] : memref<20000x128xf32, #tpu.memory_space<hbm>> -> memref<20000x128xf32, #tpu.memory_space<hbm>>
      tpu.wait_indirect_dma semaphore(%arg7 : memref<!tpu.dma_semaphore, #tpu.memory_space<semaphore_mem>>) src(%dma_wait3A_15 : memref<20000x128xf32, #tpu.memory_space<hbm>>) dst(%arg6 : memref<128x128xf32, #tpu.memory_space<vmem>>)
      "tpu.region"() ({
        %run_scoped3A = tpu.sem_alloc : memref<!tpu.dma_semaphore, #tpu.memory_space<semaphore_mem>>
        %dma_start3A_16 = arith.constant 0 : i32
        %dma_start3A_17 = tpu.memref_slice %arg4[%multiple_of3A, %dma_start3A_16] : memref<32768x128xf32, #tpu.memory_space<hbm>> -> memref<128x128xf32, #tpu.memory_space<hbm>>
        %dma_start3A_18 = arith.constant 0 : i32
        %dma_start3A_19 = tpu.memref_slice %arg4[%multiple_of3A, %dma_start3A_18] : memref<32768x128xf32, #tpu.memory_space<hbm>> -> memref<128x128xf32, #tpu.memory_space<hbm>>
        tpu.enqueue_dma source(%arg6 : memref<128x128xf32, #tpu.memory_space<vmem>>) target(%dma_start3A_19 : memref<128x128xf32, #tpu.memory_space<hbm>>) target_semaphore(%run_scoped3A : memref<!tpu.dma_semaphore, #tpu.memory_space<semaphore_mem>>)
        %dma_wait3A_20 = arith.constant 0 : i32
        %dma_wait3A_21 = tpu.memref_slice %arg4[%multiple_of3A, %dma_wait3A_20] : memref<32768x128xf32, #tpu.memory_space<hbm>> -> memref<128x128xf32, #tpu.memory_space<hbm>>
        %dma_wait3A_22 = arith.constant 0 : i32
        %dma_wait3A_23 = tpu.memref_slice %arg4[%multiple_of3A, %dma_wait3A_22] : memref<32768x128xf32, #tpu.memory_space<hbm>> -> memref<128x128xf32, #tpu.memory_space<hbm>>
        tpu.wait_dma2 semaphore(%run_scoped3A : memref<!tpu.dma_semaphore, #tpu.memory_space<semaphore_mem>>) src(%arg6 : memref<128x128xf32, #tpu.memory_space<vmem>>) dst(%dma_wait3A_23 : memref<128x128xf32, #tpu.memory_space<hbm>>)
        tpu.yield
      }) : () -> ()
    }
    %scan3A_5 = arith.constant 8 : i32
    return
  }
}

#map = affine_map<(d0, d1) -> (0)>
#map1 = affine_map<(d0, d1) -> (0, 0)>
#map2 = affine_map<(d0, d1) -> (0, 0, 0)>
module attributes {stable_mosaic.version = 14 : i64} {
  func.func @_degrees_sc(%arg0: i32, %arg1: i32, %arg2: memref<1280000xi32, #tpu.memory_space<hbm>>, %arg3: memref<80x128xf32, #tpu.memory_space<hbm>>, %arg4: memref<640x128xf32, #tpu.memory_space<hbm>>, %arg5: memref<20x10000x128xf32, #tpu.memory_space<hbm>>, %arg6: memref<10000x128xf32, #tpu.memory_space<vmem_shared>>, %arg7: memref<2x80xi32, #tpu.memory_space<vmem>>, %arg8: memref<80x128xf32, #tpu.memory_space<vmem>>, %arg9: memref<2x!tpu.dma_semaphore, #tpu.memory_space<semaphore_mem>>) attributes {dimension_semantics = [#tpu.dimension_semantics<core_parallel>, #tpu.dimension_semantics<subcore_parallel>], iteration_bounds = array<i64: 2, 16>, scalar_prefetch = 0 : i64, scratch_operands = 4 : i64, tpu.core_type = #tpu.core_type<sc_vector_subcore>, window_params = [{transform_indices = #map}, {transform_indices = #map1}, {transform_indices = #map1}, {transform_indices = #map2}]} {
    "tpu.region"() ({
      %run_scoped3A = tpu.sem_alloc : memref<!tpu.dma_semaphore, #tpu.memory_space<semaphore_mem>>
      tpu.enqueue_dma source(%arg3 : memref<80x128xf32, #tpu.memory_space<hbm>>) target(%arg8 : memref<80x128xf32, #tpu.memory_space<vmem>>) target_semaphore(%run_scoped3A : memref<!tpu.dma_semaphore, #tpu.memory_space<semaphore_mem>>)
      tpu.wait_dma2 semaphore(%run_scoped3A : memref<!tpu.dma_semaphore, #tpu.memory_space<semaphore_mem>>) src(%arg3 : memref<80x128xf32, #tpu.memory_space<hbm>>) dst(%arg8 : memref<80x128xf32, #tpu.memory_space<vmem>>)
      tpu.yield
    }) : () -> ()
    %lt3A = arith.constant 15 : i32
    %lt3A_0 = arith.cmpi slt, %arg1, %lt3A : i32
    %convert_element_type3A = arith.extui %lt3A_0 : i1 to i32
    %cond3A = arith.constant 0 : i32
    %cond3A_1 = arith.cmpi ne, %convert_element_type3A, %cond3A : i32
    scf.if %cond3A_1 {
      %mul3A = arith.constant 640 : i32
      %mul3A_11 = arith.muli %arg1, %mul3A : i32
      "tpu.region"() ({
        %run_scoped3A = tpu.sem_alloc : memref<!tpu.dma_semaphore, #tpu.memory_space<semaphore_mem>>
        %dma_start3A = arith.constant 0 : i32
        %dma_start3A_12 = tpu.memref_slice %arg6[%mul3A_11, %dma_start3A] : memref<10000x128xf32, #tpu.memory_space<vmem_shared>> -> memref<640x128xf32, #tpu.memory_space<vmem_shared>>
        %dma_start3A_13 = arith.constant 0 : i32
        %dma_start3A_14 = arith.constant 0 : i32
        %dma_start3A_15 = tpu.memref_slice %arg4[%dma_start3A_13, %dma_start3A_14] : memref<640x128xf32, #tpu.memory_space<hbm>> -> memref<640x128xf32, #tpu.memory_space<hbm>>
        tpu.enqueue_dma source(%dma_start3A_15 : memref<640x128xf32, #tpu.memory_space<hbm>>) target(%dma_start3A_12 : memref<640x128xf32, #tpu.memory_space<vmem_shared>>) target_semaphore(%run_scoped3A : memref<!tpu.dma_semaphore, #tpu.memory_space<semaphore_mem>>)
        %dma_wait3A = arith.constant 0 : i32
        %dma_wait3A_16 = tpu.memref_slice %arg6[%mul3A_11, %dma_wait3A] : memref<10000x128xf32, #tpu.memory_space<vmem_shared>> -> memref<640x128xf32, #tpu.memory_space<vmem_shared>>
        %dma_wait3A_17 = arith.constant 0 : i32
        %dma_wait3A_18 = arith.constant 0 : i32
        %dma_wait3A_19 = tpu.memref_slice %arg4[%dma_wait3A_17, %dma_wait3A_18] : memref<640x128xf32, #tpu.memory_space<hbm>> -> memref<640x128xf32, #tpu.memory_space<hbm>>
        tpu.wait_dma2 semaphore(%run_scoped3A : memref<!tpu.dma_semaphore, #tpu.memory_space<semaphore_mem>>) src(%dma_wait3A_19 : memref<640x128xf32, #tpu.memory_space<hbm>>) dst(%dma_wait3A_16 : memref<640x128xf32, #tpu.memory_space<vmem_shared>>)
        tpu.yield
      }) : () -> ()
    } else {
    }
    %eq3A = arith.constant 15 : i32
    %eq3A_2 = arith.cmpi eq, %arg1, %eq3A : i32
    %convert_element_type3A_3 = arith.extui %eq3A_2 : i1 to i32
    %cond3A_4 = arith.constant 0 : i32
    %cond3A_5 = arith.cmpi ne, %convert_element_type3A_3, %cond3A_4 : i32
    scf.if %cond3A_5 {
      "tpu.region"() ({
        %run_scoped3A = tpu.sem_alloc : memref<!tpu.dma_semaphore, #tpu.memory_space<semaphore_mem>>
        %dma_start3A = arith.constant 9600 : i32
        %dma_start3A_11 = arith.constant 0 : i32
        %dma_start3A_12 = tpu.memref_slice %arg6[%dma_start3A, %dma_start3A_11] : memref<10000x128xf32, #tpu.memory_space<vmem_shared>> -> memref<400x128xf32, #tpu.memory_space<vmem_shared>>
        %dma_start3A_13 = arith.constant 0 : i32
        %dma_start3A_14 = arith.constant 0 : i32
        %dma_start3A_15 = tpu.memref_slice %arg4[%dma_start3A_13, %dma_start3A_14] : memref<640x128xf32, #tpu.memory_space<hbm>> -> memref<400x128xf32, #tpu.memory_space<hbm>>
        tpu.enqueue_dma source(%dma_start3A_15 : memref<400x128xf32, #tpu.memory_space<hbm>>) target(%dma_start3A_12 : memref<400x128xf32, #tpu.memory_space<vmem_shared>>) target_semaphore(%run_scoped3A : memref<!tpu.dma_semaphore, #tpu.memory_space<semaphore_mem>>)
        %dma_wait3A = arith.constant 9600 : i32
        %dma_wait3A_16 = arith.constant 0 : i32
        %dma_wait3A_17 = tpu.memref_slice %arg6[%dma_wait3A, %dma_wait3A_16] : memref<10000x128xf32, #tpu.memory_space<vmem_shared>> -> memref<400x128xf32, #tpu.memory_space<vmem_shared>>
        %dma_wait3A_18 = arith.constant 0 : i32
        %dma_wait3A_19 = arith.constant 0 : i32
        %dma_wait3A_20 = tpu.memref_slice %arg4[%dma_wait3A_18, %dma_wait3A_19] : memref<640x128xf32, #tpu.memory_space<hbm>> -> memref<400x128xf32, #tpu.memory_space<hbm>>
        tpu.wait_dma2 semaphore(%run_scoped3A : memref<!tpu.dma_semaphore, #tpu.memory_space<semaphore_mem>>) src(%dma_wait3A_20 : memref<400x128xf32, #tpu.memory_space<hbm>>) dst(%dma_wait3A_17 : memref<400x128xf32, #tpu.memory_space<vmem_shared>>)
        tpu.yield
      }) : () -> ()
    } else {
    }
    %barrier3A = arith.constant 0 : index
    tpu.barrier barrier_id(%barrier3A)
    %scan3A = arith.constant 0 : i32
    %scan3A_6 = arith.constant 0 : i32
    %scan3A_7 = arith.constant 10 : i32
    %scan3A_8 = arith.addi %scan3A_6, %scan3A_7 : i32
    %scan3A_9 = arith.constant 1 : i32
    scf.for %scan3A_11 = %scan3A_6 to %scan3A_8 step %scan3A_9  : i32 {
      %mul3A = arith.constant 10 : i32
      %mul3A_12 = arith.muli %arg0, %mul3A : i32
      %add3A = arith.addi %mul3A_12, %scan3A_11 : i32
      %mul3A_13 = arith.constant 64000 : i32
      %mul3A_14 = arith.muli %add3A, %mul3A_13 : i32
      %mul3A_15 = arith.constant 4000 : i32
      %mul3A_16 = arith.muli %arg1, %mul3A_15 : i32
      %add3A_17 = arith.addi %mul3A_14, %mul3A_16 : i32
      %multiple_of3A = tpu.assume_multiple %add3A_17, 8 : i32
      %run_scoped3A = arith.constant 0 : i32
      "tpu.region"() ({
        %run_scoped3A_55 = tpu.sem_alloc : memref<!tpu.dma_semaphore, #tpu.memory_space<semaphore_mem>>
        %dma_start3A = arith.constant 0 : i32
        %dma_start3A_56 = tpu.memref_slice %arg7[%run_scoped3A, %dma_start3A] : memref<2x80xi32, #tpu.memory_space<vmem>> -> memref<1x80xi32, #tpu.memory_space<vmem>>
        %dma_start3A_57 = tpu.memref_squeeze %dma_start3A_56 : memref<1x80xi32, #tpu.memory_space<vmem>> -> memref<80xi32, #tpu.memory_space<vmem>>
        %dma_start3A_58 = tpu.memref_slice %arg2[%multiple_of3A] : memref<1280000xi32, #tpu.memory_space<hbm>> -> memref<80xi32, #tpu.memory_space<hbm>>
        %dma_start3A_59 = arith.constant 0 : i32
        %dma_start3A_60 = tpu.memref_slice %arg7[%run_scoped3A, %dma_start3A_59] : memref<2x80xi32, #tpu.memory_space<vmem>> -> memref<1x80xi32, #tpu.memory_space<vmem>>
        %dma_start3A_61 = tpu.memref_squeeze %dma_start3A_60 : memref<1x80xi32, #tpu.memory_space<vmem>> -> memref<80xi32, #tpu.memory_space<vmem>>
        %dma_start3A_62 = tpu.memref_slice %arg2[%multiple_of3A] : memref<1280000xi32, #tpu.memory_space<hbm>> -> memref<80xi32, #tpu.memory_space<hbm>>
        tpu.enqueue_dma source(%dma_start3A_62 : memref<80xi32, #tpu.memory_space<hbm>>) target(%dma_start3A_61 : memref<80xi32, #tpu.memory_space<vmem>>) target_semaphore(%run_scoped3A_55 : memref<!tpu.dma_semaphore, #tpu.memory_space<semaphore_mem>>)
        %dma_wait3A_63 = arith.constant 0 : i32
        %dma_wait3A_64 = tpu.memref_slice %arg7[%run_scoped3A, %dma_wait3A_63] : memref<2x80xi32, #tpu.memory_space<vmem>> -> memref<1x80xi32, #tpu.memory_space<vmem>>
        %dma_wait3A_65 = tpu.memref_squeeze %dma_wait3A_64 : memref<1x80xi32, #tpu.memory_space<vmem>> -> memref<80xi32, #tpu.memory_space<vmem>>
        %dma_wait3A_66 = tpu.memref_slice %arg2[%multiple_of3A] : memref<1280000xi32, #tpu.memory_space<hbm>> -> memref<80xi32, #tpu.memory_space<hbm>>
        %dma_wait3A_67 = arith.constant 0 : i32
        %dma_wait3A_68 = tpu.memref_slice %arg7[%run_scoped3A, %dma_wait3A_67] : memref<2x80xi32, #tpu.memory_space<vmem>> -> memref<1x80xi32, #tpu.memory_space<vmem>>
        %dma_wait3A_69 = tpu.memref_squeeze %dma_wait3A_68 : memref<1x80xi32, #tpu.memory_space<vmem>> -> memref<80xi32, #tpu.memory_space<vmem>>
        %dma_wait3A_70 = tpu.memref_slice %arg2[%multiple_of3A] : memref<1280000xi32, #tpu.memory_space<hbm>> -> memref<80xi32, #tpu.memory_space<hbm>>
        tpu.wait_dma2 semaphore(%run_scoped3A_55 : memref<!tpu.dma_semaphore, #tpu.memory_space<semaphore_mem>>) src(%dma_wait3A_70 : memref<80xi32, #tpu.memory_space<hbm>>) dst(%dma_wait3A_69 : memref<80xi32, #tpu.memory_space<vmem>>)
        tpu.yield
      }) : () -> ()
      %scan3A_18 = arith.constant 0 : i32
      %scan3A_19 = arith.constant 0 : i32
      %scan3A_20 = arith.constant 50 : i32
      %scan3A_21 = arith.addi %scan3A_19, %scan3A_20 : i32
      %scan3A_22 = arith.constant 1 : i32
      scf.for %scan3A_55 = %scan3A_19 to %scan3A_21 step %scan3A_22  : i32 {
        %rem3A = arith.constant 2 : i32
        %rem3A_56 = arith.remsi %scan3A_55, %rem3A : i32
        %add3A_57 = arith.constant 1 : i32
        %add3A_58 = arith.addi %scan3A_55, %add3A_57 : i32
        %rem3A_59 = arith.constant 2 : i32
        %rem3A_60 = arith.remsi %add3A_58, %rem3A_59 : i32
        %dma_start3A = arith.constant 0 : i32
        %dma_start3A_61 = tpu.memref_slice %arg7[%rem3A_56, %dma_start3A] : memref<2x80xi32, #tpu.memory_space<vmem>> -> memref<1x80xi32, #tpu.memory_space<vmem>>
        %dma_start3A_62 = tpu.memref_squeeze %dma_start3A_61 : memref<1x80xi32, #tpu.memory_space<vmem>> -> memref<80xi32, #tpu.memory_space<vmem>>
        %dma_start3A_63 = arith.constant 0 : i32
        %dma_start3A_64 = arith.constant 0 : i32
        %dma_start3A_65 = tpu.memref_slice %arg6[%dma_start3A_63, %dma_start3A_64] : memref<10000x128xf32, #tpu.memory_space<vmem_shared>> -> memref<10000x128xf32, #tpu.memory_space<vmem_shared>>
        %dma_start3A_66 = tpu.memref_slice %arg9[%rem3A_56] : memref<2x!tpu.dma_semaphore, #tpu.memory_space<semaphore_mem>> -> memref<1x!tpu.dma_semaphore, #tpu.memory_space<semaphore_mem>>
        %dma_start3A_67 = tpu.memref_squeeze %dma_start3A_66 : memref<1x!tpu.dma_semaphore, #tpu.memory_space<semaphore_mem>> -> memref<!tpu.dma_semaphore, #tpu.memory_space<semaphore_mem>>
        tpu.enqueue_indirect_dma source(%arg8 : memref<80x128xf32, #tpu.memory_space<vmem>>) target(%dma_start3A_65 : memref<10000x128xf32, #tpu.memory_space<vmem_shared>>) offsets(%dma_start3A_62 : memref<80xi32, #tpu.memory_space<vmem>>) semaphore(%dma_start3A_67 : memref<!tpu.dma_semaphore, #tpu.memory_space<semaphore_mem>>) {add = true}
        %lt3A_68 = arith.constant 49 : i32
        %lt3A_69 = arith.cmpi slt, %scan3A_55, %lt3A_68 : i32
        %convert_element_type3A_70 = arith.extui %lt3A_69 : i1 to i32
        %cond3A_71 = arith.constant 0 : i32
        %cond3A_72 = arith.cmpi ne, %convert_element_type3A_70, %cond3A_71 : i32
        scf.if %cond3A_72 {
          %ge3A = arith.constant 1 : i32
          %ge3A_73 = arith.cmpi sge, %scan3A_55, %ge3A : i32
          %convert_element_type3A_74 = arith.extui %ge3A_73 : i1 to i32
          %cond3A_75 = arith.constant 0 : i32
          %cond3A_76 = arith.cmpi ne, %convert_element_type3A_74, %cond3A_75 : i32
          scf.if %cond3A_76 {
            %dma_wait3A_83 = arith.constant 0 : i32
            %dma_wait3A_84 = tpu.memref_slice %arg7[%rem3A_60, %dma_wait3A_83] : memref<2x80xi32, #tpu.memory_space<vmem>> -> memref<1x80xi32, #tpu.memory_space<vmem>>
            %dma_wait3A_85 = tpu.memref_squeeze %dma_wait3A_84 : memref<1x80xi32, #tpu.memory_space<vmem>> -> memref<80xi32, #tpu.memory_space<vmem>>
            %dma_wait3A_86 = arith.constant 0 : i32
            %dma_wait3A_87 = arith.constant 0 : i32
            %dma_wait3A_88 = tpu.memref_slice %arg6[%dma_wait3A_86, %dma_wait3A_87] : memref<10000x128xf32, #tpu.memory_space<vmem_shared>> -> memref<10000x128xf32, #tpu.memory_space<vmem_shared>>
            %dma_wait3A_89 = tpu.memref_slice %arg9[%rem3A_60] : memref<2x!tpu.dma_semaphore, #tpu.memory_space<semaphore_mem>> -> memref<1x!tpu.dma_semaphore, #tpu.memory_space<semaphore_mem>>
            %dma_wait3A_90 = tpu.memref_squeeze %dma_wait3A_89 : memref<1x!tpu.dma_semaphore, #tpu.memory_space<semaphore_mem>> -> memref<!tpu.dma_semaphore, #tpu.memory_space<semaphore_mem>>
            tpu.wait_indirect_dma semaphore(%dma_wait3A_90 : memref<!tpu.dma_semaphore, #tpu.memory_space<semaphore_mem>>) src(%arg8 : memref<80x128xf32, #tpu.memory_space<vmem>>) dst(%dma_wait3A_88 : memref<10000x128xf32, #tpu.memory_space<vmem_shared>>)
          } else {
          }
          %add3A_77 = arith.constant 1 : i32
          %add3A_78 = arith.addi %scan3A_55, %add3A_77 : i32
          %mul3A_79 = arith.constant 80 : i32
          %mul3A_80 = arith.muli %add3A_78, %mul3A_79 : i32
          %add3A_81 = arith.addi %multiple_of3A, %mul3A_80 : i32
          %multiple_of3A_82 = tpu.assume_multiple %add3A_81, 8 : i32
          "tpu.region"() ({
            %run_scoped3A_83 = tpu.sem_alloc : memref<!tpu.dma_semaphore, #tpu.memory_space<semaphore_mem>>
            %dma_start3A_84 = arith.constant 0 : i32
            %dma_start3A_85 = tpu.memref_slice %arg7[%rem3A_60, %dma_start3A_84] : memref<2x80xi32, #tpu.memory_space<vmem>> -> memref<1x80xi32, #tpu.memory_space<vmem>>
            %dma_start3A_86 = tpu.memref_squeeze %dma_start3A_85 : memref<1x80xi32, #tpu.memory_space<vmem>> -> memref<80xi32, #tpu.memory_space<vmem>>
            %dma_start3A_87 = tpu.memref_slice %arg2[%multiple_of3A_82] : memref<1280000xi32, #tpu.memory_space<hbm>> -> memref<80xi32, #tpu.memory_space<hbm>>
            %dma_start3A_88 = arith.constant 0 : i32
            %dma_start3A_89 = tpu.memref_slice %arg7[%rem3A_60, %dma_start3A_88] : memref<2x80xi32, #tpu.memory_space<vmem>> -> memref<1x80xi32, #tpu.memory_space<vmem>>
            %dma_start3A_90 = tpu.memref_squeeze %dma_start3A_89 : memref<1x80xi32, #tpu.memory_space<vmem>> -> memref<80xi32, #tpu.memory_space<vmem>>
            %dma_start3A_91 = tpu.memref_slice %arg2[%multiple_of3A_82] : memref<1280000xi32, #tpu.memory_space<hbm>> -> memref<80xi32, #tpu.memory_space<hbm>>
            tpu.enqueue_dma source(%dma_start3A_91 : memref<80xi32, #tpu.memory_space<hbm>>) target(%dma_start3A_90 : memref<80xi32, #tpu.memory_space<vmem>>) target_semaphore(%run_scoped3A_83 : memref<!tpu.dma_semaphore, #tpu.memory_space<semaphore_mem>>)
            %dma_wait3A_92 = arith.constant 0 : i32
            %dma_wait3A_93 = tpu.memref_slice %arg7[%rem3A_60, %dma_wait3A_92] : memref<2x80xi32, #tpu.memory_space<vmem>> -> memref<1x80xi32, #tpu.memory_space<vmem>>
            %dma_wait3A_94 = tpu.memref_squeeze %dma_wait3A_93 : memref<1x80xi32, #tpu.memory_space<vmem>> -> memref<80xi32, #tpu.memory_space<vmem>>
            %dma_wait3A_95 = tpu.memref_slice %arg2[%multiple_of3A_82] : memref<1280000xi32, #tpu.memory_space<hbm>> -> memref<80xi32, #tpu.memory_space<hbm>>
            %dma_wait3A_96 = arith.constant 0 : i32
            %dma_wait3A_97 = tpu.memref_slice %arg7[%rem3A_60, %dma_wait3A_96] : memref<2x80xi32, #tpu.memory_space<vmem>> -> memref<1x80xi32, #tpu.memory_space<vmem>>
            %dma_wait3A_98 = tpu.memref_squeeze %dma_wait3A_97 : memref<1x80xi32, #tpu.memory_space<vmem>> -> memref<80xi32, #tpu.memory_space<vmem>>
            %dma_wait3A_99 = tpu.memref_slice %arg2[%multiple_of3A_82] : memref<1280000xi32, #tpu.memory_space<hbm>> -> memref<80xi32, #tpu.memory_space<hbm>>
            tpu.wait_dma2 semaphore(%run_scoped3A_83 : memref<!tpu.dma_semaphore, #tpu.memory_space<semaphore_mem>>) src(%dma_wait3A_99 : memref<80xi32, #tpu.memory_space<hbm>>) dst(%dma_wait3A_98 : memref<80xi32, #tpu.memory_space<vmem>>)
            tpu.yield
          }) : () -> ()
        } else {
        }
      }
      %scan3A_23 = arith.constant 50 : i32
      %dma_wait3A = arith.constant 0 : i32
      %dma_wait3A_24 = arith.constant 0 : i32
      %dma_wait3A_25 = arith.constant 0 : i32
      %dma_wait3A_26 = tpu.memref_slice %arg7[%dma_wait3A, %dma_wait3A_25] : memref<2x80xi32, #tpu.memory_space<vmem>> -> memref<1x80xi32, #tpu.memory_space<vmem>>
      %dma_wait3A_27 = tpu.memref_squeeze %dma_wait3A_26 : memref<1x80xi32, #tpu.memory_space<vmem>> -> memref<80xi32, #tpu.memory_space<vmem>>
      %dma_wait3A_28 = arith.constant 0 : i32
      %dma_wait3A_29 = arith.constant 0 : i32
      %dma_wait3A_30 = tpu.memref_slice %arg6[%dma_wait3A_28, %dma_wait3A_29] : memref<10000x128xf32, #tpu.memory_space<vmem_shared>> -> memref<10000x128xf32, #tpu.memory_space<vmem_shared>>
      %dma_wait3A_31 = tpu.memref_slice %arg9[%dma_wait3A_24] : memref<2x!tpu.dma_semaphore, #tpu.memory_space<semaphore_mem>> -> memref<1x!tpu.dma_semaphore, #tpu.memory_space<semaphore_mem>>
      %dma_wait3A_32 = tpu.memref_squeeze %dma_wait3A_31 : memref<1x!tpu.dma_semaphore, #tpu.memory_space<semaphore_mem>> -> memref<!tpu.dma_semaphore, #tpu.memory_space<semaphore_mem>>
      tpu.wait_indirect_dma semaphore(%dma_wait3A_32 : memref<!tpu.dma_semaphore, #tpu.memory_space<semaphore_mem>>) src(%arg8 : memref<80x128xf32, #tpu.memory_space<vmem>>) dst(%dma_wait3A_30 : memref<10000x128xf32, #tpu.memory_space<vmem_shared>>)
      %dma_wait3A_33 = arith.constant 1 : i32
      %dma_wait3A_34 = arith.constant 1 : i32
      %dma_wait3A_35 = arith.constant 0 : i32
      %dma_wait3A_36 = tpu.memref_slice %arg7[%dma_wait3A_33, %dma_wait3A_35] : memref<2x80xi32, #tpu.memory_space<vmem>> -> memref<1x80xi32, #tpu.memory_space<vmem>>
      %dma_wait3A_37 = tpu.memref_squeeze %dma_wait3A_36 : memref<1x80xi32, #tpu.memory_space<vmem>> -> memref<80xi32, #tpu.memory_space<vmem>>
      %dma_wait3A_38 = arith.constant 0 : i32
      %dma_wait3A_39 = arith.constant 0 : i32
      %dma_wait3A_40 = tpu.memref_slice %arg6[%dma_wait3A_38, %dma_wait3A_39] : memref<10000x128xf32, #tpu.memory_space<vmem_shared>> -> memref<10000x128xf32, #tpu.memory_space<vmem_shared>>
      %dma_wait3A_41 = tpu.memref_slice %arg9[%dma_wait3A_34] : memref<2x!tpu.dma_semaphore, #tpu.memory_space<semaphore_mem>> -> memref<1x!tpu.dma_semaphore, #tpu.memory_space<semaphore_mem>>
      %dma_wait3A_42 = tpu.memref_squeeze %dma_wait3A_41 : memref<1x!tpu.dma_semaphore, #tpu.memory_space<semaphore_mem>> -> memref<!tpu.dma_semaphore, #tpu.memory_space<semaphore_mem>>
      tpu.wait_indirect_dma semaphore(%dma_wait3A_42 : memref<!tpu.dma_semaphore, #tpu.memory_space<semaphore_mem>>) src(%arg8 : memref<80x128xf32, #tpu.memory_space<vmem>>) dst(%dma_wait3A_40 : memref<10000x128xf32, #tpu.memory_space<vmem_shared>>)
      %barrier3A_43 = arith.constant 0 : index
      tpu.barrier barrier_id(%barrier3A_43)
      %lt3A_44 = arith.constant 15 : i32
      %lt3A_45 = arith.cmpi slt, %arg1, %lt3A_44 : i32
      %convert_element_type3A_46 = arith.extui %lt3A_45 : i1 to i32
      %cond3A_47 = arith.constant 0 : i32
      %cond3A_48 = arith.cmpi ne, %convert_element_type3A_46, %cond3A_47 : i32
      scf.if %cond3A_48 {
        %mul3A_55 = arith.constant 640 : i32
        %mul3A_56 = arith.muli %arg1, %mul3A_55 : i32
        "tpu.region"() ({
          %run_scoped3A_57 = tpu.sem_alloc : memref<!tpu.dma_semaphore, #tpu.memory_space<semaphore_mem>>
          %dma_start3A = arith.constant 0 : i32
          %dma_start3A_58 = tpu.memref_slice %arg5[%add3A, %mul3A_56, %dma_start3A] : memref<20x10000x128xf32, #tpu.memory_space<hbm>> -> memref<1x640x128xf32, #tpu.memory_space<hbm>>
          %dma_start3A_59 = tpu.memref_squeeze %dma_start3A_58 : memref<1x640x128xf32, #tpu.memory_space<hbm>> -> memref<640x128xf32, #tpu.memory_space<hbm>>
          %dma_start3A_60 = arith.constant 0 : i32
          %dma_start3A_61 = tpu.memref_slice %arg6[%mul3A_56, %dma_start3A_60] : memref<10000x128xf32, #tpu.memory_space<vmem_shared>> -> memref<640x128xf32, #tpu.memory_space<vmem_shared>>
          tpu.enqueue_dma source(%dma_start3A_61 : memref<640x128xf32, #tpu.memory_space<vmem_shared>>) target(%dma_start3A_59 : memref<640x128xf32, #tpu.memory_space<hbm>>) target_semaphore(%run_scoped3A_57 : memref<!tpu.dma_semaphore, #tpu.memory_space<semaphore_mem>>)
          %dma_wait3A_62 = arith.constant 0 : i32
          %dma_wait3A_63 = tpu.memref_slice %arg5[%add3A, %mul3A_56, %dma_wait3A_62] : memref<20x10000x128xf32, #tpu.memory_space<hbm>> -> memref<1x640x128xf32, #tpu.memory_space<hbm>>
          %dma_wait3A_64 = tpu.memref_squeeze %dma_wait3A_63 : memref<1x640x128xf32, #tpu.memory_space<hbm>> -> memref<640x128xf32, #tpu.memory_space<hbm>>
          %dma_wait3A_65 = arith.constant 0 : i32
          %dma_wait3A_66 = tpu.memref_slice %arg6[%mul3A_56, %dma_wait3A_65] : memref<10000x128xf32, #tpu.memory_space<vmem_shared>> -> memref<640x128xf32, #tpu.memory_space<vmem_shared>>
          tpu.wait_dma2 semaphore(%run_scoped3A_57 : memref<!tpu.dma_semaphore, #tpu.memory_space<semaphore_mem>>) src(%dma_wait3A_66 : memref<640x128xf32, #tpu.memory_space<vmem_shared>>) dst(%dma_wait3A_64 : memref<640x128xf32, #tpu.memory_space<hbm>>)
          tpu.yield
        }) : () -> ()
        "tpu.region"() ({
          %run_scoped3A_57 = tpu.sem_alloc : memref<!tpu.dma_semaphore, #tpu.memory_space<semaphore_mem>>
          %dma_start3A = arith.constant 0 : i32
          %dma_start3A_58 = tpu.memref_slice %arg6[%mul3A_56, %dma_start3A] : memref<10000x128xf32, #tpu.memory_space<vmem_shared>> -> memref<640x128xf32, #tpu.memory_space<vmem_shared>>
          %dma_start3A_59 = arith.constant 0 : i32
          %dma_start3A_60 = arith.constant 0 : i32
          %dma_start3A_61 = tpu.memref_slice %arg4[%dma_start3A_59, %dma_start3A_60] : memref<640x128xf32, #tpu.memory_space<hbm>> -> memref<640x128xf32, #tpu.memory_space<hbm>>
          tpu.enqueue_dma source(%dma_start3A_61 : memref<640x128xf32, #tpu.memory_space<hbm>>) target(%dma_start3A_58 : memref<640x128xf32, #tpu.memory_space<vmem_shared>>) target_semaphore(%run_scoped3A_57 : memref<!tpu.dma_semaphore, #tpu.memory_space<semaphore_mem>>)
          %dma_wait3A_62 = arith.constant 0 : i32
          %dma_wait3A_63 = tpu.memref_slice %arg6[%mul3A_56, %dma_wait3A_62] : memref<10000x128xf32, #tpu.memory_space<vmem_shared>> -> memref<640x128xf32, #tpu.memory_space<vmem_shared>>
          %dma_wait3A_64 = arith.constant 0 : i32
          %dma_wait3A_65 = arith.constant 0 : i32
          %dma_wait3A_66 = tpu.memref_slice %arg4[%dma_wait3A_64, %dma_wait3A_65] : memref<640x128xf32, #tpu.memory_space<hbm>> -> memref<640x128xf32, #tpu.memory_space<hbm>>
          tpu.wait_dma2 semaphore(%run_scoped3A_57 : memref<!tpu.dma_semaphore, #tpu.memory_space<semaphore_mem>>) src(%dma_wait3A_66 : memref<640x128xf32, #tpu.memory_space<hbm>>) dst(%dma_wait3A_63 : memref<640x128xf32, #tpu.memory_space<vmem_shared>>)
          tpu.yield
        }) : () -> ()
      } else {
      }
      %eq3A_49 = arith.constant 15 : i32
      %eq3A_50 = arith.cmpi eq, %arg1, %eq3A_49 : i32
      %convert_element_type3A_51 = arith.extui %eq3A_50 : i1 to i32
      %cond3A_52 = arith.constant 0 : i32
      %cond3A_53 = arith.cmpi ne, %convert_element_type3A_51, %cond3A_52 : i32
      scf.if %cond3A_53 {
        "tpu.region"() ({
          %run_scoped3A_55 = tpu.sem_alloc : memref<!tpu.dma_semaphore, #tpu.memory_space<semaphore_mem>>
          %dma_start3A = arith.constant 9600 : i32
          %dma_start3A_56 = arith.constant 0 : i32
          %dma_start3A_57 = tpu.memref_slice %arg5[%add3A, %dma_start3A, %dma_start3A_56] : memref<20x10000x128xf32, #tpu.memory_space<hbm>> -> memref<1x400x128xf32, #tpu.memory_space<hbm>>
          %dma_start3A_58 = tpu.memref_squeeze %dma_start3A_57 : memref<1x400x128xf32, #tpu.memory_space<hbm>> -> memref<400x128xf32, #tpu.memory_space<hbm>>
          %dma_start3A_59 = arith.constant 9600 : i32
          %dma_start3A_60 = arith.constant 0 : i32
          %dma_start3A_61 = tpu.memref_slice %arg6[%dma_start3A_59, %dma_start3A_60] : memref<10000x128xf32, #tpu.memory_space<vmem_shared>> -> memref<400x128xf32, #tpu.memory_space<vmem_shared>>
          tpu.enqueue_dma source(%dma_start3A_61 : memref<400x128xf32, #tpu.memory_space<vmem_shared>>) target(%dma_start3A_58 : memref<400x128xf32, #tpu.memory_space<hbm>>) target_semaphore(%run_scoped3A_55 : memref<!tpu.dma_semaphore, #tpu.memory_space<semaphore_mem>>)
          %dma_wait3A_62 = arith.constant 9600 : i32
          %dma_wait3A_63 = arith.constant 0 : i32
          %dma_wait3A_64 = tpu.memref_slice %arg5[%add3A, %dma_wait3A_62, %dma_wait3A_63] : memref<20x10000x128xf32, #tpu.memory_space<hbm>> -> memref<1x400x128xf32, #tpu.memory_space<hbm>>
          %dma_wait3A_65 = tpu.memref_squeeze %dma_wait3A_64 : memref<1x400x128xf32, #tpu.memory_space<hbm>> -> memref<400x128xf32, #tpu.memory_space<hbm>>
          %dma_wait3A_66 = arith.constant 9600 : i32
          %dma_wait3A_67 = arith.constant 0 : i32
          %dma_wait3A_68 = tpu.memref_slice %arg6[%dma_wait3A_66, %dma_wait3A_67] : memref<10000x128xf32, #tpu.memory_space<vmem_shared>> -> memref<400x128xf32, #tpu.memory_space<vmem_shared>>
          tpu.wait_dma2 semaphore(%run_scoped3A_55 : memref<!tpu.dma_semaphore, #tpu.memory_space<semaphore_mem>>) src(%dma_wait3A_68 : memref<400x128xf32, #tpu.memory_space<vmem_shared>>) dst(%dma_wait3A_65 : memref<400x128xf32, #tpu.memory_space<hbm>>)
          tpu.yield
        }) : () -> ()
        "tpu.region"() ({
          %run_scoped3A_55 = tpu.sem_alloc : memref<!tpu.dma_semaphore, #tpu.memory_space<semaphore_mem>>
          %dma_start3A = arith.constant 9600 : i32
          %dma_start3A_56 = arith.constant 0 : i32
          %dma_start3A_57 = tpu.memref_slice %arg6[%dma_start3A, %dma_start3A_56] : memref<10000x128xf32, #tpu.memory_space<vmem_shared>> -> memref<400x128xf32, #tpu.memory_space<vmem_shared>>
          %dma_start3A_58 = arith.constant 0 : i32
          %dma_start3A_59 = arith.constant 0 : i32
          %dma_start3A_60 = tpu.memref_slice %arg4[%dma_start3A_58, %dma_start3A_59] : memref<640x128xf32, #tpu.memory_space<hbm>> -> memref<400x128xf32, #tpu.memory_space<hbm>>
          tpu.enqueue_dma source(%dma_start3A_60 : memref<400x128xf32, #tpu.memory_space<hbm>>) target(%dma_start3A_57 : memref<400x128xf32, #tpu.memory_space<vmem_shared>>) target_semaphore(%run_scoped3A_55 : memref<!tpu.dma_semaphore, #tpu.memory_space<semaphore_mem>>)
          %dma_wait3A_61 = arith.constant 9600 : i32
          %dma_wait3A_62 = arith.constant 0 : i32
          %dma_wait3A_63 = tpu.memref_slice %arg6[%dma_wait3A_61, %dma_wait3A_62] : memref<10000x128xf32, #tpu.memory_space<vmem_shared>> -> memref<400x128xf32, #tpu.memory_space<vmem_shared>>
          %dma_wait3A_64 = arith.constant 0 : i32
          %dma_wait3A_65 = arith.constant 0 : i32
          %dma_wait3A_66 = tpu.memref_slice %arg4[%dma_wait3A_64, %dma_wait3A_65] : memref<640x128xf32, #tpu.memory_space<hbm>> -> memref<400x128xf32, #tpu.memory_space<hbm>>
          tpu.wait_dma2 semaphore(%run_scoped3A_55 : memref<!tpu.dma_semaphore, #tpu.memory_space<semaphore_mem>>) src(%dma_wait3A_66 : memref<400x128xf32, #tpu.memory_space<hbm>>) dst(%dma_wait3A_63 : memref<400x128xf32, #tpu.memory_space<vmem_shared>>)
          tpu.yield
        }) : () -> ()
      } else {
      }
      %barrier3A_54 = arith.constant 0 : index
      tpu.barrier barrier_id(%barrier3A_54)
    }
    %scan3A_10 = arith.constant 10 : i32
    return
  }
}

#map = affine_map<(d0, d1) -> (0, 0)>
#map1 = affine_map<(d0, d1) -> (0, 0, 0, 0)>
#map2 = affine_map<(d0, d1) -> (0, 0, 0)>
module attributes {stable_mosaic.version = 14 : i64} {
  func.func @_segsum_sc(%arg0: i32, %arg1: i32, %arg2: memref<100000x128xf32, #tpu.memory_space<hbm>>, %arg3: memref<10x16x50x80xi32, #tpu.memory_space<hbm>>, %arg4: memref<10x16x50x80xi32, #tpu.memory_space<hbm>>, %arg5: memref<640x128xf32, #tpu.memory_space<hbm>>, %arg6: memref<10x10000x128xf32, #tpu.memory_space<hbm>>, %arg7: memref<10000x128xf32, #tpu.memory_space<vmem_shared>>, %arg8: memref<50x80xi32, #tpu.memory_space<vmem>>, %arg9: memref<50x80xi32, #tpu.memory_space<vmem>>, %arg10: memref<2x80x128xf32, #tpu.memory_space<vmem>>, %arg11: memref<2x!tpu.dma_semaphore, #tpu.memory_space<semaphore_mem>>, %arg12: memref<2x!tpu.dma_semaphore, #tpu.memory_space<semaphore_mem>>) attributes {dimension_semantics = [#tpu.dimension_semantics<core_parallel>, #tpu.dimension_semantics<subcore_parallel>], iteration_bounds = array<i64: 2, 16>, scalar_prefetch = 0 : i64, scratch_operands = 6 : i64, tpu.core_type = #tpu.core_type<sc_vector_subcore>, window_params = [{transform_indices = #map}, {transform_indices = #map1}, {transform_indices = #map1}, {transform_indices = #map}, {transform_indices = #map2}]} {
    %lt3A = arith.constant 15 : i32
    %lt3A_0 = arith.cmpi slt, %arg1, %lt3A : i32
    %convert_element_type3A = arith.extui %lt3A_0 : i1 to i32
    %cond3A = arith.constant 0 : i32
    %cond3A_1 = arith.cmpi ne, %convert_element_type3A, %cond3A : i32
    scf.if %cond3A_1 {
      %mul3A = arith.constant 640 : i32
      %mul3A_11 = arith.muli %arg1, %mul3A : i32
      "tpu.region"() ({
        %run_scoped3A = tpu.sem_alloc : memref<!tpu.dma_semaphore, #tpu.memory_space<semaphore_mem>>
        %dma_start3A = arith.constant 0 : i32
        %dma_start3A_12 = tpu.memref_slice %arg7[%mul3A_11, %dma_start3A] : memref<10000x128xf32, #tpu.memory_space<vmem_shared>> -> memref<640x128xf32, #tpu.memory_space<vmem_shared>>
        %dma_start3A_13 = arith.constant 0 : i32
        %dma_start3A_14 = arith.constant 0 : i32
        %dma_start3A_15 = tpu.memref_slice %arg5[%dma_start3A_13, %dma_start3A_14] : memref<640x128xf32, #tpu.memory_space<hbm>> -> memref<640x128xf32, #tpu.memory_space<hbm>>
        tpu.enqueue_dma source(%dma_start3A_15 : memref<640x128xf32, #tpu.memory_space<hbm>>) target(%dma_start3A_12 : memref<640x128xf32, #tpu.memory_space<vmem_shared>>) target_semaphore(%run_scoped3A : memref<!tpu.dma_semaphore, #tpu.memory_space<semaphore_mem>>)
        %dma_wait3A = arith.constant 0 : i32
        %dma_wait3A_16 = tpu.memref_slice %arg7[%mul3A_11, %dma_wait3A] : memref<10000x128xf32, #tpu.memory_space<vmem_shared>> -> memref<640x128xf32, #tpu.memory_space<vmem_shared>>
        %dma_wait3A_17 = arith.constant 0 : i32
        %dma_wait3A_18 = arith.constant 0 : i32
        %dma_wait3A_19 = tpu.memref_slice %arg5[%dma_wait3A_17, %dma_wait3A_18] : memref<640x128xf32, #tpu.memory_space<hbm>> -> memref<640x128xf32, #tpu.memory_space<hbm>>
        tpu.wait_dma2 semaphore(%run_scoped3A : memref<!tpu.dma_semaphore, #tpu.memory_space<semaphore_mem>>) src(%dma_wait3A_19 : memref<640x128xf32, #tpu.memory_space<hbm>>) dst(%dma_wait3A_16 : memref<640x128xf32, #tpu.memory_space<vmem_shared>>)
        tpu.yield
      }) : () -> ()
    } else {
    }
    %eq3A = arith.constant 15 : i32
    %eq3A_2 = arith.cmpi eq, %arg1, %eq3A : i32
    %convert_element_type3A_3 = arith.extui %eq3A_2 : i1 to i32
    %cond3A_4 = arith.constant 0 : i32
    %cond3A_5 = arith.cmpi ne, %convert_element_type3A_3, %cond3A_4 : i32
    scf.if %cond3A_5 {
      "tpu.region"() ({
        %run_scoped3A = tpu.sem_alloc : memref<!tpu.dma_semaphore, #tpu.memory_space<semaphore_mem>>
        %dma_start3A = arith.constant 9600 : i32
        %dma_start3A_11 = arith.constant 0 : i32
        %dma_start3A_12 = tpu.memref_slice %arg7[%dma_start3A, %dma_start3A_11] : memref<10000x128xf32, #tpu.memory_space<vmem_shared>> -> memref<400x128xf32, #tpu.memory_space<vmem_shared>>
        %dma_start3A_13 = arith.constant 0 : i32
        %dma_start3A_14 = arith.constant 0 : i32
        %dma_start3A_15 = tpu.memref_slice %arg5[%dma_start3A_13, %dma_start3A_14] : memref<640x128xf32, #tpu.memory_space<hbm>> -> memref<400x128xf32, #tpu.memory_space<hbm>>
        tpu.enqueue_dma source(%dma_start3A_15 : memref<400x128xf32, #tpu.memory_space<hbm>>) target(%dma_start3A_12 : memref<400x128xf32, #tpu.memory_space<vmem_shared>>) target_semaphore(%run_scoped3A : memref<!tpu.dma_semaphore, #tpu.memory_space<semaphore_mem>>)
        %dma_wait3A = arith.constant 9600 : i32
        %dma_wait3A_16 = arith.constant 0 : i32
        %dma_wait3A_17 = tpu.memref_slice %arg7[%dma_wait3A, %dma_wait3A_16] : memref<10000x128xf32, #tpu.memory_space<vmem_shared>> -> memref<400x128xf32, #tpu.memory_space<vmem_shared>>
        %dma_wait3A_18 = arith.constant 0 : i32
        %dma_wait3A_19 = arith.constant 0 : i32
        %dma_wait3A_20 = tpu.memref_slice %arg5[%dma_wait3A_18, %dma_wait3A_19] : memref<640x128xf32, #tpu.memory_space<hbm>> -> memref<400x128xf32, #tpu.memory_space<hbm>>
        tpu.wait_dma2 semaphore(%run_scoped3A : memref<!tpu.dma_semaphore, #tpu.memory_space<semaphore_mem>>) src(%dma_wait3A_20 : memref<400x128xf32, #tpu.memory_space<hbm>>) dst(%dma_wait3A_17 : memref<400x128xf32, #tpu.memory_space<vmem_shared>>)
        tpu.yield
      }) : () -> ()
    } else {
    }
    %barrier3A = arith.constant 0 : index
    tpu.barrier barrier_id(%barrier3A)
    %scan3A = arith.constant 0 : i32
    %scan3A_6 = arith.constant 0 : i32
    %scan3A_7 = arith.constant 5 : i32
    %scan3A_8 = arith.addi %scan3A_6, %scan3A_7 : i32
    %scan3A_9 = arith.constant 1 : i32
    scf.for %scan3A_11 = %scan3A_6 to %scan3A_8 step %scan3A_9  : i32 {
      %mul3A = arith.constant 5 : i32
      %mul3A_12 = arith.muli %arg0, %mul3A : i32
      %add3A = arith.addi %mul3A_12, %scan3A_11 : i32
      "tpu.region"() ({
        %run_scoped3A = tpu.sem_alloc : memref<!tpu.dma_semaphore, #tpu.memory_space<semaphore_mem>>
        %dma_start3A_74 = arith.constant 0 : i32
        %dma_start3A_75 = arith.constant 0 : i32
        %dma_start3A_76 = tpu.memref_slice %arg3[%add3A, %arg1, %dma_start3A_74, %dma_start3A_75] : memref<10x16x50x80xi32, #tpu.memory_space<hbm>> -> memref<1x1x50x80xi32, #tpu.memory_space<hbm>>
        %dma_start3A_77 = tpu.memref_squeeze %dma_start3A_76 : memref<1x1x50x80xi32, #tpu.memory_space<hbm>> -> memref<50x80xi32, #tpu.memory_space<hbm>>
        %dma_start3A_78 = arith.constant 0 : i32
        %dma_start3A_79 = arith.constant 0 : i32
        %dma_start3A_80 = tpu.memref_slice %arg3[%add3A, %arg1, %dma_start3A_78, %dma_start3A_79] : memref<10x16x50x80xi32, #tpu.memory_space<hbm>> -> memref<1x1x50x80xi32, #tpu.memory_space<hbm>>
        %dma_start3A_81 = tpu.memref_squeeze %dma_start3A_80 : memref<1x1x50x80xi32, #tpu.memory_space<hbm>> -> memref<50x80xi32, #tpu.memory_space<hbm>>
        tpu.enqueue_dma source(%dma_start3A_81 : memref<50x80xi32, #tpu.memory_space<hbm>>) target(%arg8 : memref<50x80xi32, #tpu.memory_space<vmem>>) target_semaphore(%run_scoped3A : memref<!tpu.dma_semaphore, #tpu.memory_space<semaphore_mem>>)
        %dma_wait3A_82 = arith.constant 0 : i32
        %dma_wait3A_83 = arith.constant 0 : i32
        %dma_wait3A_84 = tpu.memref_slice %arg3[%add3A, %arg1, %dma_wait3A_82, %dma_wait3A_83] : memref<10x16x50x80xi32, #tpu.memory_space<hbm>> -> memref<1x1x50x80xi32, #tpu.memory_space<hbm>>
        %dma_wait3A_85 = tpu.memref_squeeze %dma_wait3A_84 : memref<1x1x50x80xi32, #tpu.memory_space<hbm>> -> memref<50x80xi32, #tpu.memory_space<hbm>>
        %dma_wait3A_86 = arith.constant 0 : i32
        %dma_wait3A_87 = arith.constant 0 : i32
        %dma_wait3A_88 = tpu.memref_slice %arg3[%add3A, %arg1, %dma_wait3A_86, %dma_wait3A_87] : memref<10x16x50x80xi32, #tpu.memory_space<hbm>> -> memref<1x1x50x80xi32, #tpu.memory_space<hbm>>
        %dma_wait3A_89 = tpu.memref_squeeze %dma_wait3A_88 : memref<1x1x50x80xi32, #tpu.memory_space<hbm>> -> memref<50x80xi32, #tpu.memory_space<hbm>>
        tpu.wait_dma2 semaphore(%run_scoped3A : memref<!tpu.dma_semaphore, #tpu.memory_space<semaphore_mem>>) src(%dma_wait3A_89 : memref<50x80xi32, #tpu.memory_space<hbm>>) dst(%arg8 : memref<50x80xi32, #tpu.memory_space<vmem>>)
        tpu.yield
      }) : () -> ()
      "tpu.region"() ({
        %run_scoped3A = tpu.sem_alloc : memref<!tpu.dma_semaphore, #tpu.memory_space<semaphore_mem>>
        %dma_start3A_74 = arith.constant 0 : i32
        %dma_start3A_75 = arith.constant 0 : i32
        %dma_start3A_76 = tpu.memref_slice %arg4[%add3A, %arg1, %dma_start3A_74, %dma_start3A_75] : memref<10x16x50x80xi32, #tpu.memory_space<hbm>> -> memref<1x1x50x80xi32, #tpu.memory_space<hbm>>
        %dma_start3A_77 = tpu.memref_squeeze %dma_start3A_76 : memref<1x1x50x80xi32, #tpu.memory_space<hbm>> -> memref<50x80xi32, #tpu.memory_space<hbm>>
        %dma_start3A_78 = arith.constant 0 : i32
        %dma_start3A_79 = arith.constant 0 : i32
        %dma_start3A_80 = tpu.memref_slice %arg4[%add3A, %arg1, %dma_start3A_78, %dma_start3A_79] : memref<10x16x50x80xi32, #tpu.memory_space<hbm>> -> memref<1x1x50x80xi32, #tpu.memory_space<hbm>>
        %dma_start3A_81 = tpu.memref_squeeze %dma_start3A_80 : memref<1x1x50x80xi32, #tpu.memory_space<hbm>> -> memref<50x80xi32, #tpu.memory_space<hbm>>
        tpu.enqueue_dma source(%dma_start3A_81 : memref<50x80xi32, #tpu.memory_space<hbm>>) target(%arg9 : memref<50x80xi32, #tpu.memory_space<vmem>>) target_semaphore(%run_scoped3A : memref<!tpu.dma_semaphore, #tpu.memory_space<semaphore_mem>>)
        %dma_wait3A_82 = arith.constant 0 : i32
        %dma_wait3A_83 = arith.constant 0 : i32
        %dma_wait3A_84 = tpu.memref_slice %arg4[%add3A, %arg1, %dma_wait3A_82, %dma_wait3A_83] : memref<10x16x50x80xi32, #tpu.memory_space<hbm>> -> memref<1x1x50x80xi32, #tpu.memory_space<hbm>>
        %dma_wait3A_85 = tpu.memref_squeeze %dma_wait3A_84 : memref<1x1x50x80xi32, #tpu.memory_space<hbm>> -> memref<50x80xi32, #tpu.memory_space<hbm>>
        %dma_wait3A_86 = arith.constant 0 : i32
        %dma_wait3A_87 = arith.constant 0 : i32
        %dma_wait3A_88 = tpu.memref_slice %arg4[%add3A, %arg1, %dma_wait3A_86, %dma_wait3A_87] : memref<10x16x50x80xi32, #tpu.memory_space<hbm>> -> memref<1x1x50x80xi32, #tpu.memory_space<hbm>>
        %dma_wait3A_89 = tpu.memref_squeeze %dma_wait3A_88 : memref<1x1x50x80xi32, #tpu.memory_space<hbm>> -> memref<50x80xi32, #tpu.memory_space<hbm>>
        tpu.wait_dma2 semaphore(%run_scoped3A : memref<!tpu.dma_semaphore, #tpu.memory_space<semaphore_mem>>) src(%dma_wait3A_89 : memref<50x80xi32, #tpu.memory_space<hbm>>) dst(%arg9 : memref<50x80xi32, #tpu.memory_space<vmem>>)
        tpu.yield
      }) : () -> ()
      %dma_start3A = arith.constant 0 : i32
      %dma_start3A_13 = arith.constant 0 : i32
      %dma_start3A_14 = arith.constant 0 : i32
      %dma_start3A_15 = arith.constant 0 : i32
      %dma_start3A_16 = arith.constant 0 : i32
      %dma_start3A_17 = tpu.memref_slice %arg10[%dma_start3A_13, %dma_start3A_15, %dma_start3A_16] : memref<2x80x128xf32, #tpu.memory_space<vmem>> -> memref<1x80x128xf32, #tpu.memory_space<vmem>>
      %dma_start3A_18 = tpu.memref_squeeze %dma_start3A_17 : memref<1x80x128xf32, #tpu.memory_space<vmem>> -> memref<80x128xf32, #tpu.memory_space<vmem>>
      %dma_start3A_19 = arith.constant 0 : i32
      %dma_start3A_20 = tpu.memref_slice %arg8[%dma_start3A, %dma_start3A_19] : memref<50x80xi32, #tpu.memory_space<vmem>> -> memref<1x80xi32, #tpu.memory_space<vmem>>
      %dma_start3A_21 = tpu.memref_squeeze %dma_start3A_20 : memref<1x80xi32, #tpu.memory_space<vmem>> -> memref<80xi32, #tpu.memory_space<vmem>>
      %dma_start3A_22 = arith.constant 0 : i32
      %dma_start3A_23 = arith.constant 0 : i32
      %dma_start3A_24 = tpu.memref_slice %arg2[%dma_start3A_22, %dma_start3A_23] : memref<100000x128xf32, #tpu.memory_space<hbm>> -> memref<100000x128xf32, #tpu.memory_space<hbm>>
      %dma_start3A_25 = tpu.memref_slice %arg11[%dma_start3A_14] : memref<2x!tpu.dma_semaphore, #tpu.memory_space<semaphore_mem>> -> memref<1x!tpu.dma_semaphore, #tpu.memory_space<semaphore_mem>>
      %dma_start3A_26 = tpu.memref_squeeze %dma_start3A_25 : memref<1x!tpu.dma_semaphore, #tpu.memory_space<semaphore_mem>> -> memref<!tpu.dma_semaphore, #tpu.memory_space<semaphore_mem>>
      tpu.enqueue_indirect_dma source(%dma_start3A_24 : memref<100000x128xf32, #tpu.memory_space<hbm>>) target(%dma_start3A_18 : memref<80x128xf32, #tpu.memory_space<vmem>>) offsets(%dma_start3A_21 : memref<80xi32, #tpu.memory_space<vmem>>) semaphore(%dma_start3A_26 : memref<!tpu.dma_semaphore, #tpu.memory_space<semaphore_mem>>)
      %scan3A_27 = arith.constant 0 : i32
      %scan3A_28 = arith.constant 0 : i32
      %scan3A_29 = arith.constant 50 : i32
      %scan3A_30 = arith.addi %scan3A_28, %scan3A_29 : i32
      %scan3A_31 = arith.constant 1 : i32
      scf.for %scan3A_74 = %scan3A_28 to %scan3A_30 step %scan3A_31  : i32 {
        %rem3A = arith.constant 2 : i32
        %rem3A_75 = arith.remsi %scan3A_74, %rem3A : i32
        %add3A_76 = arith.constant 1 : i32
        %add3A_77 = arith.addi %scan3A_74, %add3A_76 : i32
        %rem3A_78 = arith.constant 2 : i32
        %rem3A_79 = arith.remsi %add3A_77, %rem3A_78 : i32
        %lt3A_80 = arith.constant 49 : i32
        %lt3A_81 = arith.cmpi slt, %scan3A_74, %lt3A_80 : i32
        %convert_element_type3A_82 = arith.extui %lt3A_81 : i1 to i32
        %cond3A_83 = arith.constant 0 : i32
        %cond3A_84 = arith.cmpi ne, %convert_element_type3A_82, %cond3A_83 : i32
        scf.if %cond3A_84 {
          %ge3A = arith.constant 1 : i32
          %ge3A_109 = arith.cmpi sge, %scan3A_74, %ge3A : i32
          %convert_element_type3A_110 = arith.extui %ge3A_109 : i1 to i32
          %cond3A_111 = arith.constant 0 : i32
          %cond3A_112 = arith.cmpi ne, %convert_element_type3A_110, %cond3A_111 : i32
          scf.if %cond3A_112 {
            %dma_wait3A_127 = arith.constant 0 : i32
            %dma_wait3A_128 = arith.constant 0 : i32
            %dma_wait3A_129 = arith.constant 0 : i32
            %dma_wait3A_130 = tpu.memref_slice %arg10[%rem3A_79, %dma_wait3A_128, %dma_wait3A_129] : memref<2x80x128xf32, #tpu.memory_space<vmem>> -> memref<1x80x128xf32, #tpu.memory_space<vmem>>
            %dma_wait3A_131 = tpu.memref_squeeze %dma_wait3A_130 : memref<1x80x128xf32, #tpu.memory_space<vmem>> -> memref<80x128xf32, #tpu.memory_space<vmem>>
            %dma_wait3A_132 = arith.constant 0 : i32
            %dma_wait3A_133 = tpu.memref_slice %arg9[%dma_wait3A_127, %dma_wait3A_132] : memref<50x80xi32, #tpu.memory_space<vmem>> -> memref<1x80xi32, #tpu.memory_space<vmem>>
            %dma_wait3A_134 = tpu.memref_squeeze %dma_wait3A_133 : memref<1x80xi32, #tpu.memory_space<vmem>> -> memref<80xi32, #tpu.memory_space<vmem>>
            %dma_wait3A_135 = arith.constant 0 : i32
            %dma_wait3A_136 = arith.constant 0 : i32
            %dma_wait3A_137 = tpu.memref_slice %arg7[%dma_wait3A_135, %dma_wait3A_136] : memref<10000x128xf32, #tpu.memory_space<vmem_shared>> -> memref<10000x128xf32, #tpu.memory_space<vmem_shared>>
            %dma_wait3A_138 = tpu.memref_slice %arg12[%rem3A_79] : memref<2x!tpu.dma_semaphore, #tpu.memory_space<semaphore_mem>> -> memref<1x!tpu.dma_semaphore, #tpu.memory_space<semaphore_mem>>
            %dma_wait3A_139 = tpu.memref_squeeze %dma_wait3A_138 : memref<1x!tpu.dma_semaphore, #tpu.memory_space<semaphore_mem>> -> memref<!tpu.dma_semaphore, #tpu.memory_space<semaphore_mem>>
            tpu.wait_indirect_dma semaphore(%dma_wait3A_139 : memref<!tpu.dma_semaphore, #tpu.memory_space<semaphore_mem>>) src(%dma_wait3A_131 : memref<80x128xf32, #tpu.memory_space<vmem>>) dst(%dma_wait3A_137 : memref<10000x128xf32, #tpu.memory_space<vmem_shared>>)
          } else {
          }
          %add3A_113 = arith.constant 1 : i32
          %add3A_114 = arith.addi %scan3A_74, %add3A_113 : i32
          %dma_start3A_115 = arith.constant 0 : i32
          %dma_start3A_116 = arith.constant 0 : i32
          %dma_start3A_117 = tpu.memref_slice %arg10[%rem3A_79, %dma_start3A_115, %dma_start3A_116] : memref<2x80x128xf32, #tpu.memory_space<vmem>> -> memref<1x80x128xf32, #tpu.memory_space<vmem>>
          %dma_start3A_118 = tpu.memref_squeeze %dma_start3A_117 : memref<1x80x128xf32, #tpu.memory_space<vmem>> -> memref<80x128xf32, #tpu.memory_space<vmem>>
          %dma_start3A_119 = arith.constant 0 : i32
          %dma_start3A_120 = tpu.memref_slice %arg8[%add3A_114, %dma_start3A_119] : memref<50x80xi32, #tpu.memory_space<vmem>> -> memref<1x80xi32, #tpu.memory_space<vmem>>
          %dma_start3A_121 = tpu.memref_squeeze %dma_start3A_120 : memref<1x80xi32, #tpu.memory_space<vmem>> -> memref<80xi32, #tpu.memory_space<vmem>>
          %dma_start3A_122 = arith.constant 0 : i32
          %dma_start3A_123 = arith.constant 0 : i32
          %dma_start3A_124 = tpu.memref_slice %arg2[%dma_start3A_122, %dma_start3A_123] : memref<100000x128xf32, #tpu.memory_space<hbm>> -> memref<100000x128xf32, #tpu.memory_space<hbm>>
          %dma_start3A_125 = tpu.memref_slice %arg11[%rem3A_79] : memref<2x!tpu.dma_semaphore, #tpu.memory_space<semaphore_mem>> -> memref<1x!tpu.dma_semaphore, #tpu.memory_space<semaphore_mem>>
          %dma_start3A_126 = tpu.memref_squeeze %dma_start3A_125 : memref<1x!tpu.dma_semaphore, #tpu.memory_space<semaphore_mem>> -> memref<!tpu.dma_semaphore, #tpu.memory_space<semaphore_mem>>
          tpu.enqueue_indirect_dma source(%dma_start3A_124 : memref<100000x128xf32, #tpu.memory_space<hbm>>) target(%dma_start3A_118 : memref<80x128xf32, #tpu.memory_space<vmem>>) offsets(%dma_start3A_121 : memref<80xi32, #tpu.memory_space<vmem>>) semaphore(%dma_start3A_126 : memref<!tpu.dma_semaphore, #tpu.memory_space<semaphore_mem>>)
        } else {
        }
        %dma_wait3A_85 = arith.constant 0 : i32
        %dma_wait3A_86 = arith.constant 0 : i32
        %dma_wait3A_87 = tpu.memref_slice %arg10[%rem3A_75, %dma_wait3A_85, %dma_wait3A_86] : memref<2x80x128xf32, #tpu.memory_space<vmem>> -> memref<1x80x128xf32, #tpu.memory_space<vmem>>
        %dma_wait3A_88 = tpu.memref_squeeze %dma_wait3A_87 : memref<1x80x128xf32, #tpu.memory_space<vmem>> -> memref<80x128xf32, #tpu.memory_space<vmem>>
        %dma_wait3A_89 = arith.constant 0 : i32
        %dma_wait3A_90 = tpu.memref_slice %arg8[%scan3A_74, %dma_wait3A_89] : memref<50x80xi32, #tpu.memory_space<vmem>> -> memref<1x80xi32, #tpu.memory_space<vmem>>
        %dma_wait3A_91 = tpu.memref_squeeze %dma_wait3A_90 : memref<1x80xi32, #tpu.memory_space<vmem>> -> memref<80xi32, #tpu.memory_space<vmem>>
        %dma_wait3A_92 = arith.constant 0 : i32
        %dma_wait3A_93 = arith.constant 0 : i32
        %dma_wait3A_94 = tpu.memref_slice %arg2[%dma_wait3A_92, %dma_wait3A_93] : memref<100000x128xf32, #tpu.memory_space<hbm>> -> memref<100000x128xf32, #tpu.memory_space<hbm>>
        %dma_wait3A_95 = tpu.memref_slice %arg11[%rem3A_75] : memref<2x!tpu.dma_semaphore, #tpu.memory_space<semaphore_mem>> -> memref<1x!tpu.dma_semaphore, #tpu.memory_space<semaphore_mem>>
        %dma_wait3A_96 = tpu.memref_squeeze %dma_wait3A_95 : memref<1x!tpu.dma_semaphore, #tpu.memory_space<semaphore_mem>> -> memref<!tpu.dma_semaphore, #tpu.memory_space<semaphore_mem>>
        tpu.wait_indirect_dma semaphore(%dma_wait3A_96 : memref<!tpu.dma_semaphore, #tpu.memory_space<semaphore_mem>>) src(%dma_wait3A_94 : memref<100000x128xf32, #tpu.memory_space<hbm>>) dst(%dma_wait3A_88 : memref<80x128xf32, #tpu.memory_space<vmem>>)
        %dma_start3A_97 = arith.constant 0 : i32
        %dma_start3A_98 = arith.constant 0 : i32
        %dma_start3A_99 = tpu.memref_slice %arg10[%rem3A_75, %dma_start3A_97, %dma_start3A_98] : memref<2x80x128xf32, #tpu.memory_space<vmem>> -> memref<1x80x128xf32, #tpu.memory_space<vmem>>
        %dma_start3A_100 = tpu.memref_squeeze %dma_start3A_99 : memref<1x80x128xf32, #tpu.memory_space<vmem>> -> memref<80x128xf32, #tpu.memory_space<vmem>>
        %dma_start3A_101 = arith.constant 0 : i32
        %dma_start3A_102 = tpu.memref_slice %arg9[%scan3A_74, %dma_start3A_101] : memref<50x80xi32, #tpu.memory_space<vmem>> -> memref<1x80xi32, #tpu.memory_space<vmem>>
        %dma_start3A_103 = tpu.memref_squeeze %dma_start3A_102 : memref<1x80xi32, #tpu.memory_space<vmem>> -> memref<80xi32, #tpu.memory_space<vmem>>
        %dma_start3A_104 = arith.constant 0 : i32
        %dma_start3A_105 = arith.constant 0 : i32
        %dma_start3A_106 = tpu.memref_slice %arg7[%dma_start3A_104, %dma_start3A_105] : memref<10000x128xf32, #tpu.memory_space<vmem_shared>> -> memref<10000x128xf32, #tpu.memory_space<vmem_shared>>
        %dma_start3A_107 = tpu.memref_slice %arg12[%rem3A_75] : memref<2x!tpu.dma_semaphore, #tpu.memory_space<semaphore_mem>> -> memref<1x!tpu.dma_semaphore, #tpu.memory_space<semaphore_mem>>
        %dma_start3A_108 = tpu.memref_squeeze %dma_start3A_107 : memref<1x!tpu.dma_semaphore, #tpu.memory_space<semaphore_mem>> -> memref<!tpu.dma_semaphore, #tpu.memory_space<semaphore_mem>>
        tpu.enqueue_indirect_dma source(%dma_start3A_100 : memref<80x128xf32, #tpu.memory_space<vmem>>) target(%dma_start3A_106 : memref<10000x128xf32, #tpu.memory_space<vmem_shared>>) offsets(%dma_start3A_103 : memref<80xi32, #tpu.memory_space<vmem>>) semaphore(%dma_start3A_108 : memref<!tpu.dma_semaphore, #tpu.memory_space<semaphore_mem>>) {add = true}
      }
      %scan3A_32 = arith.constant 50 : i32
      %dma_wait3A = arith.constant 0 : i32
      %dma_wait3A_33 = arith.constant 0 : i32
      %dma_wait3A_34 = arith.constant 0 : i32
      %dma_wait3A_35 = arith.constant 0 : i32
      %dma_wait3A_36 = arith.constant 0 : i32
      %dma_wait3A_37 = tpu.memref_slice %arg10[%dma_wait3A, %dma_wait3A_35, %dma_wait3A_36] : memref<2x80x128xf32, #tpu.memory_space<vmem>> -> memref<1x80x128xf32, #tpu.memory_space<vmem>>
      %dma_wait3A_38 = tpu.memref_squeeze %dma_wait3A_37 : memref<1x80x128xf32, #tpu.memory_space<vmem>> -> memref<80x128xf32, #tpu.memory_space<vmem>>
      %dma_wait3A_39 = arith.constant 0 : i32
      %dma_wait3A_40 = tpu.memref_slice %arg9[%dma_wait3A_33, %dma_wait3A_39] : memref<50x80xi32, #tpu.memory_space<vmem>> -> memref<1x80xi32, #tpu.memory_space<vmem>>
      %dma_wait3A_41 = tpu.memref_squeeze %dma_wait3A_40 : memref<1x80xi32, #tpu.memory_space<vmem>> -> memref<80xi32, #tpu.memory_space<vmem>>
      %dma_wait3A_42 = arith.constant 0 : i32
      %dma_wait3A_43 = arith.constant 0 : i32
      %dma_wait3A_44 = tpu.memref_slice %arg7[%dma_wait3A_42, %dma_wait3A_43] : memref<10000x128xf32, #tpu.memory_space<vmem_shared>> -> memref<10000x128xf32, #tpu.memory_space<vmem_shared>>
      %dma_wait3A_45 = tpu.memref_slice %arg12[%dma_wait3A_34] : memref<2x!tpu.dma_semaphore, #tpu.memory_space<semaphore_mem>> -> memref<1x!tpu.dma_semaphore, #tpu.memory_space<semaphore_mem>>
      %dma_wait3A_46 = tpu.memref_squeeze %dma_wait3A_45 : memref<1x!tpu.dma_semaphore, #tpu.memory_space<semaphore_mem>> -> memref<!tpu.dma_semaphore, #tpu.memory_space<semaphore_mem>>
      tpu.wait_indirect_dma semaphore(%dma_wait3A_46 : memref<!tpu.dma_semaphore, #tpu.memory_space<semaphore_mem>>) src(%dma_wait3A_38 : memref<80x128xf32, #tpu.memory_space<vmem>>) dst(%dma_wait3A_44 : memref<10000x128xf32, #tpu.memory_space<vmem_shared>>)
      %dma_wait3A_47 = arith.constant 1 : i32
      %dma_wait3A_48 = arith.constant 0 : i32
      %dma_wait3A_49 = arith.constant 1 : i32
      %dma_wait3A_50 = arith.constant 0 : i32
      %dma_wait3A_51 = arith.constant 0 : i32
      %dma_wait3A_52 = tpu.memref_slice %arg10[%dma_wait3A_47, %dma_wait3A_50, %dma_wait3A_51] : memref<2x80x128xf32, #tpu.memory_space<vmem>> -> memref<1x80x128xf32, #tpu.memory_space<vmem>>
      %dma_wait3A_53 = tpu.memref_squeeze %dma_wait3A_52 : memref<1x80x128xf32, #tpu.memory_space<vmem>> -> memref<80x128xf32, #tpu.memory_space<vmem>>
      %dma_wait3A_54 = arith.constant 0 : i32
      %dma_wait3A_55 = tpu.memref_slice %arg9[%dma_wait3A_48, %dma_wait3A_54] : memref<50x80xi32, #tpu.memory_space<vmem>> -> memref<1x80xi32, #tpu.memory_space<vmem>>
      %dma_wait3A_56 = tpu.memref_squeeze %dma_wait3A_55 : memref<1x80xi32, #tpu.memory_space<vmem>> -> memref<80xi32, #tpu.memory_space<vmem>>
      %dma_wait3A_57 = arith.constant 0 : i32
      %dma_wait3A_58 = arith.constant 0 : i32
      %dma_wait3A_59 = tpu.memref_slice %arg7[%dma_wait3A_57, %dma_wait3A_58] : memref<10000x128xf32, #tpu.memory_space<vmem_shared>> -> memref<10000x128xf32, #tpu.memory_space<vmem_shared>>
      %dma_wait3A_60 = tpu.memref_slice %arg12[%dma_wait3A_49] : memref<2x!tpu.dma_semaphore, #tpu.memory_space<semaphore_mem>> -> memref<1x!tpu.dma_semaphore, #tpu.memory_space<semaphore_mem>>
      %dma_wait3A_61 = tpu.memref_squeeze %dma_wait3A_60 : memref<1x!tpu.dma_semaphore, #tpu.memory_space<semaphore_mem>> -> memref<!tpu.dma_semaphore, #tpu.memory_space<semaphore_mem>>
      tpu.wait_indirect_dma semaphore(%dma_wait3A_61 : memref<!tpu.dma_semaphore, #tpu.memory_space<semaphore_mem>>) src(%dma_wait3A_53 : memref<80x128xf32, #tpu.memory_space<vmem>>) dst(%dma_wait3A_59 : memref<10000x128xf32, #tpu.memory_space<vmem_shared>>)
      %barrier3A_62 = arith.constant 0 : index
      tpu.barrier barrier_id(%barrier3A_62)
      %lt3A_63 = arith.constant 15 : i32
      %lt3A_64 = arith.cmpi slt, %arg1, %lt3A_63 : i32
      %convert_element_type3A_65 = arith.extui %lt3A_64 : i1 to i32
      %cond3A_66 = arith.constant 0 : i32
      %cond3A_67 = arith.cmpi ne, %convert_element_type3A_65, %cond3A_66 : i32
      scf.if %cond3A_67 {
        %mul3A_74 = arith.constant 640 : i32
        %mul3A_75 = arith.muli %arg1, %mul3A_74 : i32
        "tpu.region"() ({
          %run_scoped3A = tpu.sem_alloc : memref<!tpu.dma_semaphore, #tpu.memory_space<semaphore_mem>>
          %dma_start3A_76 = arith.constant 0 : i32
          %dma_start3A_77 = tpu.memref_slice %arg6[%add3A, %mul3A_75, %dma_start3A_76] : memref<10x10000x128xf32, #tpu.memory_space<hbm>> -> memref<1x640x128xf32, #tpu.memory_space<hbm>>
          %dma_start3A_78 = tpu.memref_squeeze %dma_start3A_77 : memref<1x640x128xf32, #tpu.memory_space<hbm>> -> memref<640x128xf32, #tpu.memory_space<hbm>>
          %dma_start3A_79 = arith.constant 0 : i32
          %dma_start3A_80 = tpu.memref_slice %arg7[%mul3A_75, %dma_start3A_79] : memref<10000x128xf32, #tpu.memory_space<vmem_shared>> -> memref<640x128xf32, #tpu.memory_space<vmem_shared>>
          tpu.enqueue_dma source(%dma_start3A_80 : memref<640x128xf32, #tpu.memory_space<vmem_shared>>) target(%dma_start3A_78 : memref<640x128xf32, #tpu.memory_space<hbm>>) target_semaphore(%run_scoped3A : memref<!tpu.dma_semaphore, #tpu.memory_space<semaphore_mem>>)
          %dma_wait3A_81 = arith.constant 0 : i32
          %dma_wait3A_82 = tpu.memref_slice %arg6[%add3A, %mul3A_75, %dma_wait3A_81] : memref<10x10000x128xf32, #tpu.memory_space<hbm>> -> memref<1x640x128xf32, #tpu.memory_space<hbm>>
          %dma_wait3A_83 = tpu.memref_squeeze %dma_wait3A_82 : memref<1x640x128xf32, #tpu.memory_space<hbm>> -> memref<640x128xf32, #tpu.memory_space<hbm>>
          %dma_wait3A_84 = arith.constant 0 : i32
          %dma_wait3A_85 = tpu.memref_slice %arg7[%mul3A_75, %dma_wait3A_84] : memref<10000x128xf32, #tpu.memory_space<vmem_shared>> -> memref<640x128xf32, #tpu.memory_space<vmem_shared>>
          tpu.wait_dma2 semaphore(%run_scoped3A : memref<!tpu.dma_semaphore, #tpu.memory_space<semaphore_mem>>) src(%dma_wait3A_85 : memref<640x128xf32, #tpu.memory_space<vmem_shared>>) dst(%dma_wait3A_83 : memref<640x128xf32, #tpu.memory_space<hbm>>)
          tpu.yield
        }) : () -> ()
        "tpu.region"() ({
          %run_scoped3A = tpu.sem_alloc : memref<!tpu.dma_semaphore, #tpu.memory_space<semaphore_mem>>
          %dma_start3A_76 = arith.constant 0 : i32
          %dma_start3A_77 = tpu.memref_slice %arg7[%mul3A_75, %dma_start3A_76] : memref<10000x128xf32, #tpu.memory_space<vmem_shared>> -> memref<640x128xf32, #tpu.memory_space<vmem_shared>>
          %dma_start3A_78 = arith.constant 0 : i32
          %dma_start3A_79 = arith.constant 0 : i32
          %dma_start3A_80 = tpu.memref_slice %arg5[%dma_start3A_78, %dma_start3A_79] : memref<640x128xf32, #tpu.memory_space<hbm>> -> memref<640x128xf32, #tpu.memory_space<hbm>>
          tpu.enqueue_dma source(%dma_start3A_80 : memref<640x128xf32, #tpu.memory_space<hbm>>) target(%dma_start3A_77 : memref<640x128xf32, #tpu.memory_space<vmem_shared>>) target_semaphore(%run_scoped3A : memref<!tpu.dma_semaphore, #tpu.memory_space<semaphore_mem>>)
          %dma_wait3A_81 = arith.constant 0 : i32
          %dma_wait3A_82 = tpu.memref_slice %arg7[%mul3A_75, %dma_wait3A_81] : memref<10000x128xf32, #tpu.memory_space<vmem_shared>> -> memref<640x128xf32, #tpu.memory_space<vmem_shared>>
          %dma_wait3A_83 = arith.constant 0 : i32
          %dma_wait3A_84 = arith.constant 0 : i32
          %dma_wait3A_85 = tpu.memref_slice %arg5[%dma_wait3A_83, %dma_wait3A_84] : memref<640x128xf32, #tpu.memory_space<hbm>> -> memref<640x128xf32, #tpu.memory_space<hbm>>
          tpu.wait_dma2 semaphore(%run_scoped3A : memref<!tpu.dma_semaphore, #tpu.memory_space<semaphore_mem>>) src(%dma_wait3A_85 : memref<640x128xf32, #tpu.memory_space<hbm>>) dst(%dma_wait3A_82 : memref<640x128xf32, #tpu.memory_space<vmem_shared>>)
          tpu.yield
        }) : () -> ()
      } else {
      }
      %eq3A_68 = arith.constant 15 : i32
      %eq3A_69 = arith.cmpi eq, %arg1, %eq3A_68 : i32
      %convert_element_type3A_70 = arith.extui %eq3A_69 : i1 to i32
      %cond3A_71 = arith.constant 0 : i32
      %cond3A_72 = arith.cmpi ne, %convert_element_type3A_70, %cond3A_71 : i32
      scf.if %cond3A_72 {
        "tpu.region"() ({
          %run_scoped3A = tpu.sem_alloc : memref<!tpu.dma_semaphore, #tpu.memory_space<semaphore_mem>>
          %dma_start3A_74 = arith.constant 9600 : i32
          %dma_start3A_75 = arith.constant 0 : i32
          %dma_start3A_76 = tpu.memref_slice %arg6[%add3A, %dma_start3A_74, %dma_start3A_75] : memref<10x10000x128xf32, #tpu.memory_space<hbm>> -> memref<1x400x128xf32, #tpu.memory_space<hbm>>
          %dma_start3A_77 = tpu.memref_squeeze %dma_start3A_76 : memref<1x400x128xf32, #tpu.memory_space<hbm>> -> memref<400x128xf32, #tpu.memory_space<hbm>>
          %dma_start3A_78 = arith.constant 9600 : i32
          %dma_start3A_79 = arith.constant 0 : i32
          %dma_start3A_80 = tpu.memref_slice %arg7[%dma_start3A_78, %dma_start3A_79] : memref<10000x128xf32, #tpu.memory_space<vmem_shared>> -> memref<400x128xf32, #tpu.memory_space<vmem_shared>>
          tpu.enqueue_dma source(%dma_start3A_80 : memref<400x128xf32, #tpu.memory_space<vmem_shared>>) target(%dma_start3A_77 : memref<400x128xf32, #tpu.memory_space<hbm>>) target_semaphore(%run_scoped3A : memref<!tpu.dma_semaphore, #tpu.memory_space<semaphore_mem>>)
          %dma_wait3A_81 = arith.constant 9600 : i32
          %dma_wait3A_82 = arith.constant 0 : i32
          %dma_wait3A_83 = tpu.memref_slice %arg6[%add3A, %dma_wait3A_81, %dma_wait3A_82] : memref<10x10000x128xf32, #tpu.memory_space<hbm>> -> memref<1x400x128xf32, #tpu.memory_space<hbm>>
          %dma_wait3A_84 = tpu.memref_squeeze %dma_wait3A_83 : memref<1x400x128xf32, #tpu.memory_space<hbm>> -> memref<400x128xf32, #tpu.memory_space<hbm>>
          %dma_wait3A_85 = arith.constant 9600 : i32
          %dma_wait3A_86 = arith.constant 0 : i32
          %dma_wait3A_87 = tpu.memref_slice %arg7[%dma_wait3A_85, %dma_wait3A_86] : memref<10000x128xf32, #tpu.memory_space<vmem_shared>> -> memref<400x128xf32, #tpu.memory_space<vmem_shared>>
          tpu.wait_dma2 semaphore(%run_scoped3A : memref<!tpu.dma_semaphore, #tpu.memory_space<semaphore_mem>>) src(%dma_wait3A_87 : memref<400x128xf32, #tpu.memory_space<vmem_shared>>) dst(%dma_wait3A_84 : memref<400x128xf32, #tpu.memory_space<hbm>>)
          tpu.yield
        }) : () -> ()
        "tpu.region"() ({
          %run_scoped3A = tpu.sem_alloc : memref<!tpu.dma_semaphore, #tpu.memory_space<semaphore_mem>>
          %dma_start3A_74 = arith.constant 9600 : i32
          %dma_start3A_75 = arith.constant 0 : i32
          %dma_start3A_76 = tpu.memref_slice %arg7[%dma_start3A_74, %dma_start3A_75] : memref<10000x128xf32, #tpu.memory_space<vmem_shared>> -> memref<400x128xf32, #tpu.memory_space<vmem_shared>>
          %dma_start3A_77 = arith.constant 0 : i32
          %dma_start3A_78 = arith.constant 0 : i32
          %dma_start3A_79 = tpu.memref_slice %arg5[%dma_start3A_77, %dma_start3A_78] : memref<640x128xf32, #tpu.memory_space<hbm>> -> memref<400x128xf32, #tpu.memory_space<hbm>>
          tpu.enqueue_dma source(%dma_start3A_79 : memref<400x128xf32, #tpu.memory_space<hbm>>) target(%dma_start3A_76 : memref<400x128xf32, #tpu.memory_space<vmem_shared>>) target_semaphore(%run_scoped3A : memref<!tpu.dma_semaphore, #tpu.memory_space<semaphore_mem>>)
          %dma_wait3A_80 = arith.constant 9600 : i32
          %dma_wait3A_81 = arith.constant 0 : i32
          %dma_wait3A_82 = tpu.memref_slice %arg7[%dma_wait3A_80, %dma_wait3A_81] : memref<10000x128xf32, #tpu.memory_space<vmem_shared>> -> memref<400x128xf32, #tpu.memory_space<vmem_shared>>
          %dma_wait3A_83 = arith.constant 0 : i32
          %dma_wait3A_84 = arith.constant 0 : i32
          %dma_wait3A_85 = tpu.memref_slice %arg5[%dma_wait3A_83, %dma_wait3A_84] : memref<640x128xf32, #tpu.memory_space<hbm>> -> memref<400x128xf32, #tpu.memory_space<hbm>>
          tpu.wait_dma2 semaphore(%run_scoped3A : memref<!tpu.dma_semaphore, #tpu.memory_space<semaphore_mem>>) src(%dma_wait3A_85 : memref<400x128xf32, #tpu.memory_space<hbm>>) dst(%dma_wait3A_82 : memref<400x128xf32, #tpu.memory_space<vmem_shared>>)
          tpu.yield
        }) : () -> ()
      } else {
      }
      %barrier3A_73 = arith.constant 0 : index
      tpu.barrier barrier_id(%barrier3A_73)
    }
    %scan3A_10 = arith.constant 5 : i32
    return
  }
}

module attributes {stable_mosaic.version = 14 : i64} {
  func.func @_prescale_tc(%arg0: i32, %arg1: i32, %arg2: memref<1x2048x128xf32, #tpu.memory_space<vmem>>, %arg3: memref<1x2048x128xf32, #tpu.memory_space<vmem>>, %arg4: memref<1x2048x128xf32, #tpu.memory_space<vmem>>) attributes {dimension_semantics = [#tpu.dimension_semantics<arbitrary>, #tpu.dimension_semantics<arbitrary>], iteration_bounds = array<i64: 10, 5>, scalar_prefetch = 0 : i64, scratch_operands = 0 : i64, tpu.core_type = #tpu.core_type<tc>, window_params = [{transform_indices = @transform_0, window_bounds = array<i64: 1, 2048, 128>}, {transform_indices = @transform_1, window_bounds = array<i64: 1, 2048, 128>}, {transform_indices = @transform_2, window_bounds = array<i64: 1, 2048, 128>}]} {
    %get3A = arith.constant 0 : index
    %get3A_0 = arith.constant 0 : index
    %get3A_1 = arith.constant 0 : index
    %get3A_2 = vector.load %arg2[%get3A, %get3A_0, %get3A_1] : memref<1x2048x128xf32, #tpu.memory_space<vmem>>, vector<1x2048x128xf32>
    %get3A_3 = vector.shape_cast %get3A_2 : vector<1x2048x128xf32> to vector<2048x128xf32>
    %slice3A = vector.extract_strided_slice %get3A_3 {offsets = [0, 0], sizes = [2048, 1], strides = [1, 1]} : vector<2048x128xf32> to vector<2048x1xf32>
    %max3A = arith.constant 1.000000e+00 : f32
    %max3A_4 = vector.broadcast %max3A : f32 to vector<2048x1xf32>
    %max3A_5 = arith.maximumf %slice3A, %max3A_4 : vector<2048x1xf32>
    %rsqrt3A = math.rsqrt %max3A_5 : vector<2048x1xf32>
    %get3A_6 = arith.constant 0 : index
    %get3A_7 = arith.constant 0 : index
    %get3A_8 = arith.constant 0 : index
    %get3A_9 = vector.load %arg3[%get3A_6, %get3A_7, %get3A_8] : memref<1x2048x128xf32, #tpu.memory_space<vmem>>, vector<1x2048x128xf32>
    %get3A_10 = vector.shape_cast %get3A_9 : vector<1x2048x128xf32> to vector<2048x128xf32>
    %mul3A = vector.broadcast %rsqrt3A : vector<2048x1xf32> to vector<2048x128xf32>
    %mul3A_11 = arith.mulf %get3A_10, %mul3A : vector<2048x128xf32>
    %swap3A = arith.constant 0 : index
    %swap3A_12 = arith.constant 0 : index
    %swap3A_13 = arith.constant 0 : index
    %swap3A_14 = vector.load %arg4[%swap3A, %swap3A_12, %swap3A_13] : memref<1x2048x128xf32, #tpu.memory_space<vmem>>, vector<1x2048x128xf32>
    %swap3A_15 = vector.shape_cast %swap3A_14 : vector<1x2048x128xf32> to vector<2048x128xf32>
    %swap3A_16 = vector.shape_cast %mul3A_11 : vector<2048x128xf32> to vector<1x2048x128xf32>
    tpu.vector_store %arg4[%swap3A, %swap3A_12, %swap3A_13], %swap3A_16 {strides = array<i32>} : memref<1x2048x128xf32, #tpu.memory_space<vmem>>, vector<1x2048x128xf32>,
    return
  }
  func.func @transform_0(%arg0: i32, %arg1: i32) -> (i32, i32, i32) {
    %c0_i32 = arith.constant 0 : i32
    %c0_i32_0 = arith.constant 0 : i32
    return %arg0, %arg1, %c0_i32 : i32, i32, i32
  }
  func.func @transform_1(%arg0: i32, %arg1: i32) -> (i32, i32, i32) {
    %jit3A = arith.constant 5 : i32
    %div3A = arith.divsi %arg0, %jit3A : i32
    %sign3A = arith.constant 0 : i32
    %sign3A_0 = arith.cmpi sgt, %arg0, %sign3A : i32
    %sign3A_1 = arith.extui %sign3A_0 : i1 to i32
    %sign3A_2 = arith.constant 0 : i32
    %sign3A_3 = arith.cmpi slt, %arg0, %sign3A_2 : i32
    %sign3A_4 = arith.extui %sign3A_3 : i1 to i32
    %sign3A_5 = arith.subi %sign3A_1, %sign3A_4 : i32
    %sign3A_6 = arith.constant 0 : i32
    %sign3A_7 = arith.cmpi sgt, %jit3A, %sign3A_6 : i32
    %sign3A_8 = arith.extui %sign3A_7 : i1 to i32
    %sign3A_9 = arith.constant 0 : i32
    %sign3A_10 = arith.cmpi slt, %jit3A, %sign3A_9 : i32
    %sign3A_11 = arith.extui %sign3A_10 : i1 to i32
    %sign3A_12 = arith.subi %sign3A_8, %sign3A_11 : i32
    %ne3A = arith.cmpi ne, %sign3A_5, %sign3A_12 : i32
    %rem3A = arith.remsi %arg0, %jit3A : i32
    %ne3A_13 = arith.constant 0 : i32
    %ne3A_14 = arith.cmpi ne, %rem3A, %ne3A_13 : i32
    %and3A = arith.andi %ne3A, %ne3A_14 : i1
    %sub3A = arith.constant 1 : i32
    %sub3A_15 = arith.subi %div3A, %sub3A : i32
    %select_n3A = arith.select %and3A, %sub3A_15, %div3A : i32
    %c0_i32 = arith.constant 0 : i32
    %c0_i32_16 = arith.constant 0 : i32
    return %select_n3A, %arg1, %c0_i32 : i32, i32, i32
  }
  func.func @transform_2(%arg0: i32, %arg1: i32) -> (i32, i32, i32) {
    %c0_i32 = arith.constant 0 : i32
    %c0_i32_0 = arith.constant 0 : i32
    return %arg0, %arg1, %c0_i32 : i32, i32, i32
  }
}

module attributes {stable_mosaic.version = 14 : i64} {
  func.func @_combine_tc(%arg0: i32, %arg1: i32, %arg2: memref<5x2048x128xf32, #tpu.memory_space<vmem>>, %arg3: memref<5x2048x128xf32, #tpu.memory_space<vmem>>, %arg4: memref<5x128x128xf32, #tpu.memory_space<vmem>>, %arg5: memref<128x64xf32, #tpu.memory_space<vmem>>, %arg6: memref<1x64xf32, #tpu.memory_space<vmem>>, %arg7: memref<1x2048x128xf32, #tpu.memory_space<vmem>>) attributes {dimension_semantics = [#tpu.dimension_semantics<arbitrary>, #tpu.dimension_semantics<arbitrary>], iteration_bounds = array<i64: 2, 5>, scalar_prefetch = 0 : i64, scratch_operands = 0 : i64, tpu.core_type = #tpu.core_type<tc>, window_params = [{transform_indices = @transform_0, window_bounds = array<i64: 5, 2048, 128>}, {transform_indices = @transform_1, window_bounds = array<i64: 5, 2048, 128>}, {pipeline_mode = #tpu.pipeline_mode<synchronous>, transform_indices = @transform_2, window_bounds = array<i64: 5, 128, 128>}, {pipeline_mode = #tpu.pipeline_mode<synchronous>, transform_indices = @transform_3, window_bounds = array<i64: 128, 64>}, {pipeline_mode = #tpu.pipeline_mode<synchronous>, transform_indices = @transform_4, window_bounds = array<i64: 1, 64>}, {transform_indices = @transform_5, window_bounds = array<i64: 1, 2048, 128>}]} {
    %broadcast_in_dim3A = arith.constant 0.000000e+00 : f32
    %broadcast_in_dim3A_0 = vector.broadcast %broadcast_in_dim3A : f32 to vector<2048x128xf32>
    %get3A = arith.constant 0 : index
    %get3A_1 = arith.constant 0 : index
    %get3A_2 = arith.constant 0 : index
    %get3A_3 = vector.load %arg3[%get3A, %get3A_1, %get3A_2] : memref<5x2048x128xf32, #tpu.memory_space<vmem>>, vector<1x2048x128xf32>
    %get3A_4 = vector.shape_cast %get3A_3 : vector<1x2048x128xf32> to vector<2048x128xf32>
    %slice3A = vector.extract_strided_slice %get3A_4 {offsets = [0, 0], sizes = [2048, 1], strides = [1, 1]} : vector<2048x128xf32> to vector<2048x1xf32>
    %max3A = arith.constant 1.000000e+00 : f32
    %max3A_5 = vector.broadcast %max3A : f32 to vector<2048x1xf32>
    %max3A_6 = arith.maximumf %slice3A, %max3A_5 : vector<2048x1xf32>
    %rsqrt3A = math.rsqrt %max3A_6 : vector<2048x1xf32>
    %get3A_7 = arith.constant 0 : index
    %get3A_8 = arith.constant 0 : index
    %get3A_9 = arith.constant 0 : index
    %get3A_10 = vector.load %arg2[%get3A_7, %get3A_8, %get3A_9] : memref<5x2048x128xf32, #tpu.memory_space<vmem>>, vector<1x2048x128xf32>
    %get3A_11 = vector.shape_cast %get3A_10 : vector<1x2048x128xf32> to vector<2048x128xf32>
    %mul3A = vector.broadcast %rsqrt3A : vector<2048x1xf32> to vector<2048x128xf32>
    %mul3A_12 = arith.mulf %get3A_11, %mul3A : vector<2048x128xf32>
    %get3A_13 = arith.constant 0 : index
    %get3A_14 = arith.constant 0 : index
    %get3A_15 = arith.constant 0 : index
    %get3A_16 = vector.load %arg4[%get3A_13, %get3A_14, %get3A_15] : memref<5x128x128xf32, #tpu.memory_space<vmem>>, vector<1x128x128xf32>
    %get3A_17 = vector.shape_cast %get3A_16 : vector<1x128x128xf32> to vector<128x128xf32>
    %dot_general3A = arith.constant dense<0.000000e+00> : vector<2048x128xf32>
    %dot_general3A_18 = tpu.matmul %mul3A_12, %get3A_17, %dot_general3A {dimension_numbers = #tpu.dot_dimension_numbers<[1], [0], [0], [1], [0, 0, 1, 1], [], []>, transpose_lhs_hint = false} : vector<2048x128xf32>, vector<128x128xf32>, vector<2048x128xf32> -> vector<2048x128xf32>
    %add3A = arith.addf %broadcast_in_dim3A_0, %dot_general3A_18 : vector<2048x128xf32>
    %get3A_19 = arith.constant 1 : index
    %get3A_20 = arith.constant 0 : index
    %get3A_21 = arith.constant 0 : index
    %get3A_22 = vector.load %arg3[%get3A_19, %get3A_20, %get3A_21] : memref<5x2048x128xf32, #tpu.memory_space<vmem>>, vector<1x2048x128xf32>
    %get3A_23 = vector.shape_cast %get3A_22 : vector<1x2048x128xf32> to vector<2048x128xf32>
    %slice3A_24 = vector.extract_strided_slice %get3A_23 {offsets = [0, 0], sizes = [2048, 1], strides = [1, 1]} : vector<2048x128xf32> to vector<2048x1xf32>
    %max3A_25 = arith.constant 1.000000e+00 : f32
    %max3A_26 = vector.broadcast %max3A_25 : f32 to vector<2048x1xf32>
    %max3A_27 = arith.maximumf %slice3A_24, %max3A_26 : vector<2048x1xf32>
    %rsqrt3A_28 = math.rsqrt %max3A_27 : vector<2048x1xf32>
    %get3A_29 = arith.constant 1 : index
    %get3A_30 = arith.constant 0 : index
    %get3A_31 = arith.constant 0 : index
    %get3A_32 = vector.load %arg2[%get3A_29, %get3A_30, %get3A_31] : memref<5x2048x128xf32, #tpu.memory_space<vmem>>, vector<1x2048x128xf32>
    %get3A_33 = vector.shape_cast %get3A_32 : vector<1x2048x128xf32> to vector<2048x128xf32>
    %mul3A_34 = vector.broadcast %rsqrt3A_28 : vector<2048x1xf32> to vector<2048x128xf32>
    %mul3A_35 = arith.mulf %get3A_33, %mul3A_34 : vector<2048x128xf32>
    %get3A_36 = arith.constant 1 : index
    %get3A_37 = arith.constant 0 : index
    %get3A_38 = arith.constant 0 : index
    %get3A_39 = vector.load %arg4[%get3A_36, %get3A_37, %get3A_38] : memref<5x128x128xf32, #tpu.memory_space<vmem>>, vector<1x128x128xf32>
    %get3A_40 = vector.shape_cast %get3A_39 : vector<1x128x128xf32> to vector<128x128xf32>
    %dot_general3A_41 = arith.constant dense<0.000000e+00> : vector<2048x128xf32>
    %dot_general3A_42 = tpu.matmul %mul3A_35, %get3A_40, %dot_general3A_41 {dimension_numbers = #tpu.dot_dimension_numbers<[1], [0], [0], [1], [0, 0, 1, 1], [], []>, transpose_lhs_hint = false} : vector<2048x128xf32>, vector<128x128xf32>, vector<2048x128xf32> -> vector<2048x128xf32>
    %add3A_43 = arith.addf %add3A, %dot_general3A_42 : vector<2048x128xf32>
    %get3A_44 = arith.constant 2 : index
    %get3A_45 = arith.constant 0 : index
    %get3A_46 = arith.constant 0 : index
    %get3A_47 = vector.load %arg3[%get3A_44, %get3A_45, %get3A_46] : memref<5x2048x128xf32, #tpu.memory_space<vmem>>, vector<1x2048x128xf32>
    %get3A_48 = vector.shape_cast %get3A_47 : vector<1x2048x128xf32> to vector<2048x128xf32>
    %slice3A_49 = vector.extract_strided_slice %get3A_48 {offsets = [0, 0], sizes = [2048, 1], strides = [1, 1]} : vector<2048x128xf32> to vector<2048x1xf32>
    %max3A_50 = arith.constant 1.000000e+00 : f32
    %max3A_51 = vector.broadcast %max3A_50 : f32 to vector<2048x1xf32>
    %max3A_52 = arith.maximumf %slice3A_49, %max3A_51 : vector<2048x1xf32>
    %rsqrt3A_53 = math.rsqrt %max3A_52 : vector<2048x1xf32>
    %get3A_54 = arith.constant 2 : index
    %get3A_55 = arith.constant 0 : index
    %get3A_56 = arith.constant 0 : index
    %get3A_57 = vector.load %arg2[%get3A_54, %get3A_55, %get3A_56] : memref<5x2048x128xf32, #tpu.memory_space<vmem>>, vector<1x2048x128xf32>
    %get3A_58 = vector.shape_cast %get3A_57 : vector<1x2048x128xf32> to vector<2048x128xf32>
    %mul3A_59 = vector.broadcast %rsqrt3A_53 : vector<2048x1xf32> to vector<2048x128xf32>
    %mul3A_60 = arith.mulf %get3A_58, %mul3A_59 : vector<2048x128xf32>
    %get3A_61 = arith.constant 2 : index
    %get3A_62 = arith.constant 0 : index
    %get3A_63 = arith.constant 0 : index
    %get3A_64 = vector.load %arg4[%get3A_61, %get3A_62, %get3A_63] : memref<5x128x128xf32, #tpu.memory_space<vmem>>, vector<1x128x128xf32>
    %get3A_65 = vector.shape_cast %get3A_64 : vector<1x128x128xf32> to vector<128x128xf32>
    %dot_general3A_66 = arith.constant dense<0.000000e+00> : vector<2048x128xf32>
    %dot_general3A_67 = tpu.matmul %mul3A_60, %get3A_65, %dot_general3A_66 {dimension_numbers = #tpu.dot_dimension_numbers<[1], [0], [0], [1], [0, 0, 1, 1], [], []>, transpose_lhs_hint = false} : vector<2048x128xf32>, vector<128x128xf32>, vector<2048x128xf32> -> vector<2048x128xf32>
    %add3A_68 = arith.addf %add3A_43, %dot_general3A_67 : vector<2048x128xf32>
    %get3A_69 = arith.constant 3 : index
    %get3A_70 = arith.constant 0 : index
    %get3A_71 = arith.constant 0 : index
    %get3A_72 = vector.load %arg3[%get3A_69, %get3A_70, %get3A_71] : memref<5x2048x128xf32, #tpu.memory_space<vmem>>, vector<1x2048x128xf32>
    %get3A_73 = vector.shape_cast %get3A_72 : vector<1x2048x128xf32> to vector<2048x128xf32>
    %slice3A_74 = vector.extract_strided_slice %get3A_73 {offsets = [0, 0], sizes = [2048, 1], strides = [1, 1]} : vector<2048x128xf32> to vector<2048x1xf32>
    %max3A_75 = arith.constant 1.000000e+00 : f32
    %max3A_76 = vector.broadcast %max3A_75 : f32 to vector<2048x1xf32>
    %max3A_77 = arith.maximumf %slice3A_74, %max3A_76 : vector<2048x1xf32>
    %rsqrt3A_78 = math.rsqrt %max3A_77 : vector<2048x1xf32>
    %get3A_79 = arith.constant 3 : index
    %get3A_80 = arith.constant 0 : index
    %get3A_81 = arith.constant 0 : index
    %get3A_82 = vector.load %arg2[%get3A_79, %get3A_80, %get3A_81] : memref<5x2048x128xf32, #tpu.memory_space<vmem>>, vector<1x2048x128xf32>
    %get3A_83 = vector.shape_cast %get3A_82 : vector<1x2048x128xf32> to vector<2048x128xf32>
    %mul3A_84 = vector.broadcast %rsqrt3A_78 : vector<2048x1xf32> to vector<2048x128xf32>
    %mul3A_85 = arith.mulf %get3A_83, %mul3A_84 : vector<2048x128xf32>
    %get3A_86 = arith.constant 3 : index
    %get3A_87 = arith.constant 0 : index
    %get3A_88 = arith.constant 0 : index
    %get3A_89 = vector.load %arg4[%get3A_86, %get3A_87, %get3A_88] : memref<5x128x128xf32, #tpu.memory_space<vmem>>, vector<1x128x128xf32>
    %get3A_90 = vector.shape_cast %get3A_89 : vector<1x128x128xf32> to vector<128x128xf32>
    %dot_general3A_91 = arith.constant dense<0.000000e+00> : vector<2048x128xf32>
    %dot_general3A_92 = tpu.matmul %mul3A_85, %get3A_90, %dot_general3A_91 {dimension_numbers = #tpu.dot_dimension_numbers<[1], [0], [0], [1], [0, 0, 1, 1], [], []>, transpose_lhs_hint = false} : vector<2048x128xf32>, vector<128x128xf32>, vector<2048x128xf32> -> vector<2048x128xf32>
    %add3A_93 = arith.addf %add3A_68, %dot_general3A_92 : vector<2048x128xf32>
    %get3A_94 = arith.constant 4 : index
    %get3A_95 = arith.constant 0 : index
    %get3A_96 = arith.constant 0 : index
    %get3A_97 = vector.load %arg3[%get3A_94, %get3A_95, %get3A_96] : memref<5x2048x128xf32, #tpu.memory_space<vmem>>, vector<1x2048x128xf32>
    %get3A_98 = vector.shape_cast %get3A_97 : vector<1x2048x128xf32> to vector<2048x128xf32>
    %slice3A_99 = vector.extract_strided_slice %get3A_98 {offsets = [0, 0], sizes = [2048, 1], strides = [1, 1]} : vector<2048x128xf32> to vector<2048x1xf32>
    %max3A_100 = arith.constant 1.000000e+00 : f32
    %max3A_101 = vector.broadcast %max3A_100 : f32 to vector<2048x1xf32>
    %max3A_102 = arith.maximumf %slice3A_99, %max3A_101 : vector<2048x1xf32>
    %rsqrt3A_103 = math.rsqrt %max3A_102 : vector<2048x1xf32>
    %get3A_104 = arith.constant 4 : index
    %get3A_105 = arith.constant 0 : index
    %get3A_106 = arith.constant 0 : index
    %get3A_107 = vector.load %arg2[%get3A_104, %get3A_105, %get3A_106] : memref<5x2048x128xf32, #tpu.memory_space<vmem>>, vector<1x2048x128xf32>
    %get3A_108 = vector.shape_cast %get3A_107 : vector<1x2048x128xf32> to vector<2048x128xf32>
    %mul3A_109 = vector.broadcast %rsqrt3A_103 : vector<2048x1xf32> to vector<2048x128xf32>
    %mul3A_110 = arith.mulf %get3A_108, %mul3A_109 : vector<2048x128xf32>
    %get3A_111 = arith.constant 4 : index
    %get3A_112 = arith.constant 0 : index
    %get3A_113 = arith.constant 0 : index
    %get3A_114 = vector.load %arg4[%get3A_111, %get3A_112, %get3A_113] : memref<5x128x128xf32, #tpu.memory_space<vmem>>, vector<1x128x128xf32>
    %get3A_115 = vector.shape_cast %get3A_114 : vector<1x128x128xf32> to vector<128x128xf32>
    %dot_general3A_116 = arith.constant dense<0.000000e+00> : vector<2048x128xf32>
    %dot_general3A_117 = tpu.matmul %mul3A_110, %get3A_115, %dot_general3A_116 {dimension_numbers = #tpu.dot_dimension_numbers<[1], [0], [0], [1], [0, 0, 1, 1], [], []>, transpose_lhs_hint = false} : vector<2048x128xf32>, vector<128x128xf32>, vector<2048x128xf32> -> vector<2048x128xf32>
    %add3A_118 = arith.addf %add3A_93, %dot_general3A_117 : vector<2048x128xf32>
    %gt3A = arith.constant 0.000000e+00 : f32
    %gt3A_119 = vector.broadcast %gt3A : f32 to vector<2048x128xf32>
    %gt3A_120 = arith.cmpf ogt, %add3A_118, %gt3A_119 : vector<2048x128xf32>
    %mul3A_121 = arith.constant 1.000000e-01 : f32
    %mul3A_122 = vector.broadcast %mul3A_121 : f32 to vector<2048x128xf32>
    %mul3A_123 = arith.mulf %mul3A_122, %add3A_118 : vector<2048x128xf32>
    %select_n3A = arith.select %gt3A_120, %add3A_118, %mul3A_123 : vector<2048x128xi1>, vector<2048x128xf32>
    %get3A_124 = arith.constant 0 : index
    %get3A_125 = arith.constant 0 : index
    %get3A_126 = vector.load %arg5[%get3A_124, %get3A_125] : memref<128x64xf32, #tpu.memory_space<vmem>>, vector<128x64xf32>
    %dot_general3A_127 = arith.constant dense<0.000000e+00> : vector<2048x64xf32>
    %dot_general3A_128 = tpu.matmul %select_n3A, %get3A_126, %dot_general3A_127 {dimension_numbers = #tpu.dot_dimension_numbers<[1], [0], [0], [1], [0, 0, 1, 1], [], []>, transpose_lhs_hint = false} : vector<2048x128xf32>, vector<128x64xf32>, vector<2048x64xf32> -> vector<2048x64xf32>
    %get3A_129 = arith.constant 0 : index
    %get3A_130 = arith.constant 0 : index
    %get3A_131 = vector.load %arg6[%get3A_129, %get3A_130] : memref<1x64xf32, #tpu.memory_space<vmem>>, vector<1x64xf32>
    %get3A_132 = vector.shape_cast %get3A_131 : vector<1x64xf32> to vector<64xf32>
    %broadcast_in_dim3A_133 = vector.shape_cast %get3A_132 : vector<64xf32> to vector<1x64xf32>
    %add3A_134 = vector.broadcast %broadcast_in_dim3A_133 : vector<1x64xf32> to vector<2048x64xf32>
    %add3A_135 = arith.addf %dot_general3A_128, %add3A_134 : vector<2048x64xf32>
    %gt3A_136 = arith.constant 0.000000e+00 : f32
    %gt3A_137 = vector.broadcast %gt3A_136 : f32 to vector<2048x64xf32>
    %gt3A_138 = arith.cmpf ogt, %add3A_135, %gt3A_137 : vector<2048x64xf32>
    %mul3A_139 = arith.constant 1.000000e-01 : f32
    %mul3A_140 = vector.broadcast %mul3A_139 : f32 to vector<2048x64xf32>
    %mul3A_141 = arith.mulf %mul3A_140, %add3A_135 : vector<2048x64xf32>
    %select_n3A_142 = arith.select %gt3A_138, %add3A_135, %mul3A_141 : vector<2048x64xi1>, vector<2048x64xf32>
    %broadcast_in_dim3A_143 = arith.constant 0.000000e+00 : f32
    %broadcast_in_dim3A_144 = vector.broadcast %broadcast_in_dim3A_143 : f32 to vector<2048x64xf32>
    %concatenate3A = tpu.concatenate %select_n3A_142, %broadcast_in_dim3A_144 in 1 : vector<2048x64xf32>, vector<2048x64xf32> -> vector<2048x128xf32>
    %swap3A = arith.constant 0 : index
    %swap3A_145 = arith.constant 0 : index
    %swap3A_146 = arith.constant 0 : index
    %swap3A_147 = vector.load %arg7[%swap3A, %swap3A_145, %swap3A_146] : memref<1x2048x128xf32, #tpu.memory_space<vmem>>, vector<1x2048x128xf32>
    %swap3A_148 = vector.shape_cast %swap3A_147 : vector<1x2048x128xf32> to vector<2048x128xf32>
    %swap3A_149 = vector.shape_cast %concatenate3A : vector<2048x128xf32> to vector<1x2048x128xf32>
    tpu.vector_store %arg7[%swap3A, %swap3A_145, %swap3A_146], %swap3A_149 {strides = array<i32>} : memref<1x2048x128xf32, #tpu.memory_space<vmem>>, vector<1x2048x128xf32>,
    return
  }
  func.func @transform_0(%arg0: i32, %arg1: i32) -> (i32, i32, i32) {
    %c0_i32 = arith.constant 0 : i32
    %c0_i32_0 = arith.constant 0 : i32
    return %arg0, %arg1, %c0_i32 : i32, i32, i32
  }
  func.func @transform_1(%arg0: i32, %arg1: i32) -> (i32, i32, i32) {
    %add3A = arith.constant 2 : i32
    %add3A_0 = arith.addi %add3A, %arg0 : i32
    %c0_i32 = arith.constant 0 : i32
    %c0_i32_1 = arith.constant 0 : i32
    return %add3A_0, %arg1, %c0_i32 : i32, i32, i32
  }
  func.func @transform_2(%arg0: i32, %arg1: i32) -> (i32, i32, i32) {
    %c0_i32 = arith.constant 0 : i32
    %c0_i32_0 = arith.constant 0 : i32
    %c0_i32_1 = arith.constant 0 : i32
    %c0_i32_2 = arith.constant 0 : i32
    return %c0_i32, %c0_i32_0, %c0_i32_1 : i32, i32, i32
  }
  func.func @transform_3(%arg0: i32, %arg1: i32) -> (i32, i32) {
    %c0_i32 = arith.constant 0 : i32
    %c0_i32_0 = arith.constant 0 : i32
    %c0_i32_1 = arith.constant 0 : i32
    return %c0_i32, %c0_i32_0 : i32, i32
  }
  func.func @transform_4(%arg0: i32, %arg1: i32) -> (i32, i32) {
    %c0_i32 = arith.constant 0 : i32
    %c0_i32_0 = arith.constant 0 : i32
    %c0_i32_1 = arith.constant 0 : i32
    return %c0_i32, %c0_i32_0 : i32, i32
  }
  func.func @transform_5(%arg0: i32, %arg1: i32) -> (i32, i32, i32) {
    %c0_i32 = arith.constant 0 : i32
    %c0_i32_0 = arith.constant 0 : i32
    return %arg0, %arg1, %c0_i32 : i32, i32, i32
  }
}

module attributes {stable_mosaic.version = 14 : i64} {
  func.func @_decoder_tc(%arg0: i32, %arg1: memref<2048x128xf32, #tpu.memory_space<vmem>>, %arg2: memref<2048x128xf32, #tpu.memory_space<vmem>>, %arg3: memref<2x64x64xf32, #tpu.memory_space<vmem>>, %arg4: memref<2x5xf32, #tpu.memory_space<vmem>>, %arg5: memref<2048x5xf32, #tpu.memory_space<vmem>>) attributes {dimension_semantics = [#tpu.dimension_semantics<arbitrary>], iteration_bounds = array<i64: 8>, scalar_prefetch = 0 : i64, scratch_operands = 0 : i64, tpu.core_type = #tpu.core_type<tc>, window_params = [{transform_indices = @transform_0, window_bounds = array<i64: 2048, 128>}, {transform_indices = @transform_1, window_bounds = array<i64: 2048, 128>}, {pipeline_mode = #tpu.pipeline_mode<synchronous>, transform_indices = @transform_2, window_bounds = array<i64: 2, 64, 64>}, {pipeline_mode = #tpu.pipeline_mode<synchronous>, transform_indices = @transform_3, window_bounds = array<i64: 2, 5>}, {transform_indices = @transform_4, window_bounds = array<i64: 2048, 5>}]} {
    %get3A = arith.constant 0 : index
    %get3A_0 = arith.constant 0 : index
    %get3A_1 = vector.load %arg1[%get3A, %get3A_0] : memref<2048x128xf32, #tpu.memory_space<vmem>>, vector<2048x64xf32>
    %get3A_2 = arith.constant 0 : index
    %get3A_3 = arith.constant 0 : index
    %get3A_4 = vector.load %arg2[%get3A_2, %get3A_3] : memref<2048x128xf32, #tpu.memory_space<vmem>>, vector<2048x64xf32>
    %get3A_5 = arith.constant 0 : index
    %get3A_6 = arith.constant 0 : index
    %get3A_7 = arith.constant 0 : index
    %get3A_8 = vector.load %arg3[%get3A_5, %get3A_6, %get3A_7] : memref<2x64x64xf32, #tpu.memory_space<vmem>>, vector<1x64x64xf32>
    %get3A_9 = vector.shape_cast %get3A_8 : vector<1x64x64xf32> to vector<64x64xf32>
    %dot_general3A = arith.constant dense<0.000000e+00> : vector<2048x64xf32>
    %dot_general3A_10 = tpu.matmul %get3A_1, %get3A_9, %dot_general3A {dimension_numbers = #tpu.dot_dimension_numbers<[1], [0], [0], [1], [0, 0, 1, 1], [], []>, transpose_lhs_hint = false} : vector<2048x64xf32>, vector<64x64xf32>, vector<2048x64xf32> -> vector<2048x64xf32>
    %mul3A = arith.mulf %dot_general3A_10, %get3A_4 : vector<2048x64xf32>
    %reduce_sum3A = arith.constant dense<0.000000e+00> : vector<2048xf32>
    %reduce_sum3A_11 = vector.multi_reduction <add>, %mul3A, %reduce_sum3A [1] : vector<2048x64xf32> to vector<2048xf32>
    %get3A_12 = arith.constant 1 : index
    %get3A_13 = arith.constant 0 : index
    %get3A_14 = arith.constant 0 : index
    %get3A_15 = vector.load %arg3[%get3A_12, %get3A_13, %get3A_14] : memref<2x64x64xf32, #tpu.memory_space<vmem>>, vector<1x64x64xf32>
    %get3A_16 = vector.shape_cast %get3A_15 : vector<1x64x64xf32> to vector<64x64xf32>
    %dot_general3A_17 = arith.constant dense<0.000000e+00> : vector<2048x64xf32>
    %dot_general3A_18 = tpu.matmul %get3A_1, %get3A_16, %dot_general3A_17 {dimension_numbers = #tpu.dot_dimension_numbers<[1], [0], [0], [1], [0, 0, 1, 1], [], []>, transpose_lhs_hint = false} : vector<2048x64xf32>, vector<64x64xf32>, vector<2048x64xf32> -> vector<2048x64xf32>
    %mul3A_19 = arith.mulf %dot_general3A_18, %get3A_4 : vector<2048x64xf32>
    %reduce_sum3A_20 = arith.constant dense<0.000000e+00> : vector<2048xf32>
    %reduce_sum3A_21 = vector.multi_reduction <add>, %mul3A_19, %reduce_sum3A_20 [1] : vector<2048x64xf32> to vector<2048xf32>
    %broadcast_in_dim3A = vector.shape_cast %reduce_sum3A_11 : vector<2048xf32> to vector<2048x1xf32>
    %get3A_22 = arith.constant 0 : index
    %get3A_23 = arith.constant 0 : index
    %get3A_24 = vector.load %arg4[%get3A_22, %get3A_23] : memref<2x5xf32, #tpu.memory_space<vmem>>, vector<1x5xf32>
    %get3A_25 = vector.shape_cast %get3A_24 : vector<1x5xf32> to vector<5xf32>
    %broadcast_in_dim3A_26 = vector.shape_cast %get3A_25 : vector<5xf32> to vector<1x5xf32>
    %mul3A_27 = vector.broadcast %broadcast_in_dim3A : vector<2048x1xf32> to vector<2048x5xf32>
    %mul3A_28 = vector.broadcast %broadcast_in_dim3A_26 : vector<1x5xf32> to vector<2048x5xf32>
    %mul3A_29 = arith.mulf %mul3A_27, %mul3A_28 : vector<2048x5xf32>
    %broadcast_in_dim3A_30 = vector.shape_cast %reduce_sum3A_21 : vector<2048xf32> to vector<2048x1xf32>
    %get3A_31 = arith.constant 1 : index
    %get3A_32 = arith.constant 0 : index
    %get3A_33 = vector.load %arg4[%get3A_31, %get3A_32] : memref<2x5xf32, #tpu.memory_space<vmem>>, vector<1x5xf32>
    %get3A_34 = vector.shape_cast %get3A_33 : vector<1x5xf32> to vector<5xf32>
    %broadcast_in_dim3A_35 = vector.shape_cast %get3A_34 : vector<5xf32> to vector<1x5xf32>
    %mul3A_36 = vector.broadcast %broadcast_in_dim3A_30 : vector<2048x1xf32> to vector<2048x5xf32>
    %mul3A_37 = vector.broadcast %broadcast_in_dim3A_35 : vector<1x5xf32> to vector<2048x5xf32>
    %mul3A_38 = arith.mulf %mul3A_36, %mul3A_37 : vector<2048x5xf32>
    %add3A = arith.addf %mul3A_29, %mul3A_38 : vector<2048x5xf32>
    %swap3A = arith.constant 0 : index
    %swap3A_39 = arith.constant 0 : index
    %swap3A_40 = vector.load %arg5[%swap3A, %swap3A_39] : memref<2048x5xf32, #tpu.memory_space<vmem>>, vector<2048x5xf32>
    tpu.vector_store %arg5[%swap3A, %swap3A_39], %add3A {strides = array<i32>} : memref<2048x5xf32, #tpu.memory_space<vmem>>, vector<2048x5xf32>,
    return
  }
  func.func @transform_0(%arg0: i32) -> (i32, i32) {
    %c0_i32 = arith.constant 0 : i32
    %c0_i32_0 = arith.constant 0 : i32
    return %arg0, %c0_i32 : i32, i32
  }
  func.func @transform_1(%arg0: i32) -> (i32, i32) {
    %add3A = arith.constant 8 : i32
    %add3A_0 = arith.addi %arg0, %add3A : i32
    %c0_i32 = arith.constant 0 : i32
    %c0_i32_1 = arith.constant 0 : i32
    return %add3A_0, %c0_i32 : i32, i32
  }
  func.func @transform_2(%arg0: i32) -> (i32, i32, i32) {
    %c0_i32 = arith.constant 0 : i32
    %c0_i32_0 = arith.constant 0 : i32
    %c0_i32_1 = arith.constant 0 : i32
    %c0_i32_2 = arith.constant 0 : i32
    return %c0_i32, %c0_i32_0, %c0_i32_1 : i32, i32, i32
  }
  func.func @transform_3(%arg0: i32) -> (i32, i32) {
    %c0_i32 = arith.constant 0 : i32
    %c0_i32_0 = arith.constant 0 : i32
    %c0_i32_1 = arith.constant 0 : i32
    return %c0_i32, %c0_i32_0 : i32, i32
  }
  func.func @transform_4(%arg0: i32) -> (i32, i32) {
    %c0_i32 = arith.constant 0 : i32
    %c0_i32_0 = arith.constant 0 : i32
    return %arg0, %c0_i32 : i32, i32
  }
}

</mosaic_0001>

<sc_bundles>
// kernel: kernel.11.cloned.1.call-start
scs
__scs_entry_jumppad:
0x0: {  	(pc) =	sbr.rel $0x88, $3  }
0x1: {  	(tag) =	ssettag $0x0;
	lr =	simm.s32 $0x1  }
0x2: {  	[smem:$0x3F96] =	sst lr;
	_ =	strace $0xD0000000  }
0x3: {  	_ = 	snop  }
0x4: {  	_ = 	snop  }
0x5: {  	_ = 	snop  }
0x6: {  	_ = 	snop  }
0x7: {  	_ = 	snop  }
__scs_overlays_trampoline_lowered:
0x8: {  	[smem:$0x3FA5] =	sst s0  }
0x9: {  	[smem:$0x3FA6] =	sst s1  }
0xa: {  	[smem:$0x3FA7] =	sst s2  }
0xb: {  	[smem:$0x3FA8] =	sst s3  }
0xc: {  	[smem:$0x3FA9] =	sst s4  }
0xd: {  	[smem:$0x3FAA] =	sst s5  }
0xe: {  	[smem:$0x3FAB] =	sst s6  }
0xf: {  	[smem:$0x3FAC] =	sst s7  }
0x10: {  	[smem:$0x3FAD] =	sst s8  }
0x11: {  	[smem:$0x3FAE] =	sst s9;
	s0 =	simm.s32 @!p0 $0x0  }
0x12: {  	s1 =	sld [smem:$0x3F94];
	s0 =	simm.s32 @p0 $0x1  }
0x13: {  	[smem:$0x3FAF] =	sst s0;
	s0 =	simm.s32 @!p1 $0x0  }
0x14: {  	s2 =	sld [smem:$0x3F93];
	s0 =	simm.s32 @p1 $0x1  }
0x15: {  	[smem:$0x3FB0] =	sst s0;
	s0 =	simm.s32 @!p2 $0x0  }
0x16: {  	s3 =	sld [smem:$0x3FDB];
	s0 =	simm.s32 @p2 $0x1  }
0x17: {  	s4 =	simm.s32 $0x1BF5;
	[smem:$0x3FB2] =	sst s0  }
0x18: {  	s0 =	sld [smem:$0x3F95];
	_ =	swait.ge [sflag:s4], $0x0  }
0x19: {  	s7 =	sld [smem:$0x3F96]  }
0x1a: {  	s8 =	sadd.s32 $0xFFFFE003, lr  }
0x1b: {  	s9 =	sadd.s32 $0xFFFFFEF7, lr;
	s5 =	simm.s32 $0xFFFFFFFF;
	p2 =	slt.u32 s8, $0xFFFFF086  }
0x1c: {  	p1 =	slt.u32 s9, $0xF7A;
	s5 =	simm.s32 @!p2 $0x0  }
0x1d: {  	s5 =	simm.s32 @p1 $0x1;
	p0 =	seq.s32 s7, s2  }
0x1e: {  	s7 =	smul.u32 @!p0 $0xF7A, s2;
	p2 =	seq.s32 @!p0 s5, $0x0  }
0x1f: {  	s9 =	smul.u32 $0xF7A, s1;
	s8 =	simm.s32 @!p0 $0x1BF5;
	p2 =	por !p2, p0  }
0x20: {  	[sflag:s8] =	ssyncset.s32 @!p0 $0xFFFFF086;
	s6 =	sadd.s32 @!p0 s3, s7;
	s7 =	simm.s32 @!p0 $0x108  }
0x21: {  	s3 =	sadd.s32 s3, s9;
	s6 =	sadd.s32 @!p0 $0x88, s6;
	s7 =	simm.s32 @p2 $0x1082  }
0x22: {  	[simem:s7], [sflag:s8] =	dma.local @!p0 [hbm:s6], $0xF7A  }
0x23: {  	s9 =	sor.u32 $0xD0000000, s2;
	s6 =	simm.s32 $0x108;
	_ =	swait.ge @!p0 [sflag:s8], $0x0  }
0x24: {  	s3 =	sadd.s32 $0x88, s3;
	s6 =	simm.s32 @!p1 $0x1082;
	[sflag:s4] =	ssyncset.s32 $0xFFFFF086  }
0x25: {  	[simem:s6], [sflag:s4] =	dma.local [hbm:s3], $0xF7A  }
0x26: {  	[smem:$0x3F96] =	sst s1;
	(tag) =	ssettag s2;
	_ =	strace s9  }
0x27: {  	s1 =	sld [smem:$0x3FA6]  }
0x28: {  	s2 =	sld [smem:$0x3FA7]  }
0x29: {  	s4 =	sld [smem:$0x3FA9]  }
0x2a: {  	p0 =	seq.s32 s5, $0x0;
	s5 =	sld [smem:$0x3FAA]  }
0x2b: {  	s6 =	sld [smem:$0x3FAB]  }
0x2c: {  	s7 =	sld [smem:$0x3FAC]  }
0x2d: {  	s3 =	simm.s32 $0x108;
	s8 =	sld [smem:$0x3FAD]  }
0x2e: {  	s3 =	simm.s32 @!p0 $0x1082;
	s9 =	sld [smem:$0x3FAE]  }
0x2f: {  	lr =	sadd.s32 s0, s3;
	s0 =	sld [smem:$0x3FA5]  }
0x30: {  	s3 =	sld [smem:$0x3FA8]  }
0x31: {  	[smem:$0x3FB1] =	sst s10  }
0x32: {  	s10 =	sld [smem:$0x3FAF];
	_ =	sdelay $0x3  }
0x33: {  	p0 =	seq.s32 s10, $0x1;
	s10 =	sld [smem:$0x3FB1];
	_ =	sdelay $0x3  }
0x34: {  	[smem:$0x3FB1] =	sst s10  }
0x35: {  	s10 =	sld [smem:$0x3FB0];
	_ =	sdelay $0x3  }
0x36: {  	p1 =	seq.s32 s10, $0x1;
	s10 =	sld [smem:$0x3FB1];
	_ =	sdelay $0x3  }
0x37: {  	[smem:$0x3FB1] =	sst s10  }
0x38: {  	s10 =	sld [smem:$0x3FB2]  }
0x39: {  	_ = 	snop;
	(pc) =	sbr.ind lr, $3  }
0x3a: {  	_ = 	snop  }
0x3b: {  	_ = 	snop  }
0x3c: {  	p2 =	seq.s32 s10, $0x1;
	s10 =	sld [smem:$0x3FB1]  }
0x3d: {  	_ =	shalt  }
0x3e: {  	_ =	shalt  }
0x3f: {  	_ =	shalt  }
0x40: {  	_ =	shalt  }
0x41: {  	_ =	shalt  }
0x42: {  	_ =	shalt  }
0x43: {  	_ =	shalt  }
0x44: {  	_ =	shalt  }
0x45: {  	_ =	shalt  }
0x46: {  	_ =	shalt  }
0x47: {  	_ =	shalt  }
0x48: {  	_ =	shalt  }
0x49: {  	_ =	shalt  }
0x4a: {  	_ =	shalt  }
0x4b: {  	_ =	shalt  }
0x4c: {  	_ =	shalt  }
0x4d: {  	_ =	shalt  }
0x4e: {  	_ =	shalt  }
0x4f: {  	_ =	shalt  }
0x50: {  	_ =	shalt  }
0x51: {  	_ =	shalt  }
0x52: {  	_ =	shalt  }
0x53: {  	_ =	shalt  }
0x54: {  	_ =	shalt  }
0x55: {  	_ =	shalt  }
0x56: {  	_ =	shalt  }
0x57: {  	_ =	shalt  }
0x58: {  	_ =	shalt  }
0x59: {  	_ =	shalt  }
0x5a: {  	_ =	shalt  }
0x5b: {  	_ =	shalt  }
0x5c: {  	_ =	shalt  }
0x5d: {  	_ =	shalt  }
0x5e: {  	_ =	shalt  }
0x5f: {  	_ =	shalt  }
0x60: {  	_ =	shalt  }
0x61: {  	_ =	shalt  }
0x62: {  	_ =	shalt  }
0x63: {  	_ =	shalt  }
0x64: {  	_ =	shalt  }
0x65: {  	_ =	shalt  }
0x66: {  	_ =	shalt  }
0x67: {  	_ =	shalt  }
0x68: {  	_ =	shalt  }
0x69: {  	_ =	shalt  }
0x6a: {  	_ =	shalt  }
0x6b: {  	_ =	shalt  }
0x6c: {  	_ =	shalt  }
0x6d: {  	_ =	shalt  }
0x6e: {  	_ =	shalt  }
0x6f: {  	_ =	shalt  }
0x70: {  	_ =	shalt  }
0x71: {  	_ =	shalt  }
0x72: {  	_ =	shalt  }
0x73: {  	_ =	shalt  }
0x74: {  	_ =	shalt  }
0x75: {  	_ =	shalt  }
0x76: {  	_ =	shalt  }
0x77: {  	_ =	shalt  }
0x78: {  	_ =	shalt  }
0x79: {  	_ =	shalt  }
0x7a: {  	_ =	shalt  }
0x7b: {  	_ =	shalt  }
0x7c: {  	_ =	shalt  }
0x7d: {  	_ =	shalt  }
0x7e: {  	_ =	shalt  }
0x7f: {  	_ =	shalt  }
0x80: {  	_ =	shalt  }
0x81: {  	_ =	shalt  }
0x82: {  	_ =	shalt  }
0x83: {  	_ =	shalt  }
0x84: {  	_ =	shalt  }
0x85: {  	_ =	shalt  }
0x86: {  	_ =	shalt  }
0x87: {  	_ =	shalt  }
.Lfunc_end0:
.L_simem_size_0:
called_computation.1_lowered:
.L_overlay_start_0:
0x88: {  	s2 =	sld [smem:$0x3FD9]  }
0x89: {  	s3 =	sld [smem:$0x3FFE];
	_ =	sdelay $0x1  }
0x8a: {  	s1 =	srdreg.scid  }
0x8b: {  	s0 =	sand.u32 $0x1, s1  }
0x8c: {  	s17 =	sshll.u32 s0, $0xA;
	s2 =	sadd.s32 s3, s2  }
0x8d: {  	s2 =	sadd.s32 s2, s17  }
0x8e: {  	[smem:$0x3FBD] =	sst s2  }
0x8f: {  	_ = 	snop  }
0x90: {  	s2 =	sld [smem:$0x3FD0];
	(tm) =	ssettm $0x1  }
0x91: {  	s18 =	sld [smem:$0x3FFB];
	_ =	sdelay $0x3  }
0x92: {  	_ =	strace s18  }
0x93: {  	s3 =	sld [smem:$0x3FFC];
	_ =	sdelay $0x3  }
0x94: {  	_ =	strace s3  }
0x95: {  	s3 =	sld [smem:$0x3FFD];
	_ =	sdelay $0x3  }
0x96: {  	_ =	strace s3  }
0x97: {  	_ =	strace $0x8FFFFFFF  }
0x98: {  	s19 =	sld [smem:$0x3FDB];
	_ =	sdelay $0x1  }
0x99: {  	s4 =	simm.s32 $_scs_section_size  }
0x9a: {  	s5 =	simm.s32 $_size__tile_overlayer_lowered;
	s6 =	simm.s32 $_tile_overlayer_lowered  }
0x9b: {  	s22 =	simm.s32 $0x1BFF;
	s21 =	sshll.u32 s6, $0x1;
	s3 =	sadd.s32 s4, s19  }
0x9c: {  	s7 =	simm.s32 $0x0;
	s20 =	sshll.u32 s5, $0x1;
	s5 =	sadd.s32 s21, s3  }
0x9d: {  	[timem:s7], [sflag:s22] =	dma.local [hbm:s5], s20  }
0x9e: {  	_ =	swait.ge [sflag:s22], s20  }
0x9f: {  	s4 =	ssub.s32 $0x0, s20;
	[sflag:s22] =	ssyncset.done $0x0  }
0xa0: {  	[sflag:s22] =	ssyncadd.s32 s4;
	_ =	sdelay $0x1  }
0xa1: {  	s23 =	simm.s32 $0x1B8B  }
0xa2: {  	_ =	swait.ge [sflag:s23], $0x1  }
0xa3: {  	[sflag:s23] =	ssyncset.done $0x0  }
0xa4: {  	s25 =	simm.s32 $0x1B8E;
	s24 =	sld [smem:$0x3FFE];
	[sflag:s23] =	ssyncadd.s32 $0xFFFFFFFF  }
0xa5: {  	s26 =	simm.s32 $execute0_lowered;
	[smem:$0x3FD2] =	sst s25  }
0xa6: {  	s5 =	sshll.u32 s26, $0x1;
	_ =	strace $0x80000049;
	[dreg:$0x1] =	wrdreg $0xFFFFFFFF  }
0xa7: {  	s28 =	simm.s32 $_size_execute0_lowered;
	s3 =	sadd.s32 s3, s5;
	[dreg:$0x0] =	wrdreg $0x0  }
0xa8: {  	s5 =	sshll.u32 s28, $0x1;
	[dreg:$0x2] =	wrdreg s3  }
0xa9: {  	[dreg:$0x3] =	wrdreg s5  }
0xaa: {  	[dreg:$0x4] =	wrdreg $0xC0  }
0xab: {  	_ =	task [dreg:s7], $0x5FFFF  }
0xac: {  	[dreg:$0x1] =	wrdreg $0xFFFFFFFF  }
0xad: {  	[dreg:$0x0] =	wrdreg $0x60  }
0xae: {  	[dreg:$0x2] =	wrdreg s24  }
0xaf: {  	[dreg:$0x3] =	wrdreg s2  }
0xb0: {  	[dreg:$0x4] =	wrdreg $0x0  }
0xb1: {  	[dreg:$0x5] =	wrdreg $0x9  }
0xb2: {  	_ =	task.clear_ibuf [dreg:s7], $0x6FFFF;
	_ =	strace $0x90000049  }
0xb3: {  	s29 =	simm.s32 $0x9;
	_ =	strace $0x8000004B  }
0xb4: {  	_ =	swait.ge [sflag:s29], $0x1  }
0xb5: {  	[sflag:s29] =	ssyncadd.s32 $0xFFFFFFFF  }
0xb6: {  	_ =	strace $0x9000004B  }
0xb7: {  	_ =	sfence  }
0xb8: {  	s30 =	sld [smem:$0x0];
	_ =	sdelay $0x2  }
0xb9: {  	s31 =	sshll.u32 s1, $0xD;
	s1 =	sshrl.u32 s1, $0x2  }
0xba: {  	s3 =	sand.u32 $0x4000, s31;
	s1 =	sadd.s32 s1, s30  }
0xbb: {  	s0 =	sor.u32 s3, s0;
	s1 =	sshll.u32 s1, $0x11  }
0xbc: {  	s0 =	sor.u32 s1, s0  }
0xbd: {  	s0 =	sadd.s32 $0x8F2B, s0  }
0xbe: {  	[sflag:s0] =	ssyncadd.remote.s32 $0x1  }
0xbf: {  	_ =	sfence.sel $0xFFFF  }
0xc0: {  	[dreg:$0x0] =	wrdreg $0xFFFFFFFF;
	(pc) =	sbr.abs _section_cstart, $3  }
0xc1: {  	[dreg:$0x1] =	wrdreg $0xFFFFFFFF  }
0xc2: {  	_ =	task.clear_ibuf [dreg:s7], $0x2FFFF;
	_ =	strace $0x9FFFFFFF  }
0xc3: {  	(tm) =	ssettm $0x7FFFFFFF  }
tec
execute0_lowered:
.L_overlay_start_1:
0x0: {  	(tag) =	ssettag $0x1  }
0x1: {  	s8 =	rddreg [dreg:$0x0]  }
0x2: {  	s1 =	rddreg [dreg:$0x1]  }
0x3: {  	s2 =	rddreg [dreg:$0x2]  }
0x4: {  	s0 =	rddreg [dreg:$0x3];
	s3 =	simm.s32 $0x0  }
0x5: {  	s7 =	srdreg.scid;
	s4 =	stileid.u32;
	s16 =	simm.s32 $0x13880  }
0x6: {  	s17 =	simm.s32 $0x5;
	s18 =	simm.s32 $0x50;
	s19 =	simm.s32 $0x17080  }
0x7: {  	s20 =	simm.s32 $0x3;
	s21 =	simm.s32 $0x4;
	[smem:$0x7FF] =	sst s3  }
0x8: {  	s22 =	simm.s32 $0x0;
	s5 =	sadd.s32 $0x37C400, s8;
	s6 =	sadd.s32 $0x359400, s8  }
0x9: {  	s9 =	sand.u32 $0x1, s7;
	s10 =	smul.u32 $0x50000, s4;
	s7 =	sadd.s32 $0x336400, s8  }
0xa: {  	s8 =	sadd.s32 $0x502E00, s8;
	s13 =	sadd.s32 $0x12C000, s2;
	p0 =	seq.s32 s4, $0xF  }
.Ltmp0:
0xb: {  	_ =	strace $0x8000004A;
	s11 =	ssub.s32 $0x2, s9;
	(pc) =	sbr.rel .LBB2_1-.Ltmp0, $4  }
0xc: {  	s9 =	smul.u32 $0x5, s9;
	s13 =	sshrl.u32 @p0 s13, $0x3;
	s14 =	sshll.u32 @!p0 s4, $0x6  }
0xd: {  	s12 =	sshrl.u32 s11, $0x1;
	s10 =	sshrl.u32 s10, $0x2;
	s14 =	sor.u32 @!p0 $0x1C05, s14  }
0xe: {  	s12 =	ssub.s32 s11, s12;
	s15 =	sadd.s32 s10, s2;
	s10 =	smul.u32 $0x1C00, s4  }
0xf: {  	s11 =	smul.u32 $0x14000, s4;
	s12 =	smax.u32 s12, $0x1;
	s15 =	sshrl.u32 @!p0 s15, $0x3  }
.LBB2_9:
0x10: {  	s22 =	sadd.s32 $0x1, s22  }
0x11: {  	p1 =	sne.s32 s22, s12  }
.Ltmp1:
0x12: {  	_ = 	snop;
	(pc) =	sbr.rel @!p1 .LBB2_10-.Ltmp1, $1  }
0x13: {  	_ =	sdelay $0x3  }
.LBB2_1:
0x14: {  	s23 =	simm.s32 @p0 $0x1FC5  }
0x15: {  	[spmem:s13], [sflag:s23] =	dma.local @p0 [hbm:s1], $0x1900  }
0x16: {  	s23 =	simm.s32 @p0 $0x5  }
0x17: {  	_ =	swait.ge @p0 [sflag:s23], $0x1900  }
0x18: {  	[sflag:s23] =	ssyncset.done @p0 $0x0  }
0x19: {  	[sflag:s23] =	ssyncadd.s32 @p0 $0xFFFFE700;
	s23 =	simm.s32 @!p0 $0x5  }
0x1a: {  	[spmem:s15], [sflag:s14] =	dma.local @!p0 [hbm:s1], $0x2800  }
.Ltmp2:
0x1b: {  	_ =	swait.ge @!p0 [sflag:s23], $0x2800;
	(pc) =	sbr.rel .LBB2_2-.Ltmp2, $4  }
0x1c: {  	[sflag:s23] =	ssyncset.done @!p0 $0x0  }
0x1d: {  	[sflag:s23] =	ssyncadd.s32 @!p0 $0xFFFFD800  }
0x1e: {  	[bflag:$0x0] =	sbarrier.arrive $0xFFFF  }
0x1f: {  	s23 =	simm.s32 $0x0  }
.LBB2_8:
0x20: {  	_ =	swait.ge [sflag:s20], $0x2800  }
0x21: {  	[sflag:s20] =	ssyncset.done $0x0  }
0x22: {  	s24 =	smul.u32 $0x138800, s24;
	[sflag:s20] =	ssyncadd.s32 $0xFFFFD800  }
0x23: {  	_ =	swait.ge [sflag:s21], $0x2800  }
0x24: {  	s25 =	sshrl.u32 @p0 s24, $0x3;
	[sflag:s21] =	ssyncset.done $0x0  }
0x25: {  	s25 =	sadd.s32 @p0 s8, s25;
	[sflag:s21] =	ssyncadd.s32 $0xFFFFD800  }
0x26: {  	s26 =	simm.s32 @p0 $0x1FC5;
	s25 =	sadd.s32 @p0 $0x25800, s25;
	[bflag:$0x0] =	sbarrier.arrive $0xFFFF  }
0x27: {  	[hbm:s25], [sflag:s26] =	dma.local @p0 [spmem:s13], $0x1900  }
0x28: {  	s25 =	simm.s32 @p0 $0x5  }
0x29: {  	_ =	swait.ge @p0 [sflag:s25], $0x1900  }
0x2a: {  	[sflag:s25] =	ssyncset.done @p0 $0x0  }
0x2b: {  	[sflag:s25] =	ssyncadd.s32 @p0 $0xFFFFE700  }
0x2c: {  	[spmem:s13], [sflag:s26] =	dma.local @p0 [hbm:s1], $0x1900  }
0x2d: {  	s24 =	sadd.s32 @!p0 s11, s24;
	_ =	swait.ge @p0 [sflag:s25], $0x1900  }
0x2e: {  	s24 =	sshrl.u32 @!p0 s24, $0x3;
	[sflag:s25] =	ssyncset.done @p0 $0x0  }
0x2f: {  	s24 =	sadd.s32 @!p0 s8, s24;
	[sflag:s25] =	ssyncadd.s32 @p0 $0xFFFFE700  }
0x30: {  	[hbm:s24], [sflag:s14] =	dma.local @!p0 [spmem:s15], $0x2800  }
0x31: {  	s24 =	simm.s32 @!p0 $0x5  }
0x32: {  	_ =	swait.ge @!p0 [sflag:s24], $0x2800  }
0x33: {  	s23 =	sadd.s32 $0x1, s23;
	[sflag:s24] =	ssyncset.done @!p0 $0x0  }
0x34: {  	p1 =	sne.s32 s23, $0x5;
	[sflag:s24] =	ssyncadd.s32 @!p0 $0xFFFFD800  }
0x35: {  	[spmem:s15], [sflag:s14] =	dma.local @!p0 [hbm:s1], $0x2800  }
.Ltmp3:
0x36: {  	_ =	swait.ge @!p0 [sflag:s24], $0x2800;
	(pc) =	sbr.rel @!p1 .LBB2_9-.Ltmp3, $3  }
0x37: {  	[sflag:s24] =	ssyncset.done @!p0 $0x0  }
0x38: {  	[sflag:s24] =	ssyncadd.s32 @!p0 $0xFFFFD800  }
0x39: {  	[bflag:$0x0] =	sbarrier.arrive $0xFFFF;
	_ =	sdelay $0x1  }
.LBB2_2:
0x3a: {  	s24 =	sadd.s32 s9, s23  }
0x3b: {  	s25 =	smul.u32 $0x1C000, s24;
	_ =	sdelay $0x1  }
0x3c: {  	s25 =	sadd.s32 s10, s25  }
0x3d: {  	s25 =	sshrl.u32 s25, $0x3  }
0x3e: {  	s26 =	sadd.s32 s6, s25  }
0x3f: {  	[tilespmem:s16], [sflag:$0x5] =	stream.linear.gather [hbm4b:s26+s3], $0x1900, $0x38;
	[tilespmem:$0x1C080] =	vst v63  }
0x40: {  	_ =	swait.ge [sflag:s17], $0x1900  }
0x41: {  	[sflag:s17] =	ssyncset.done $0x0  }
0x42: {  	s31 =	sadd.s32 s7, s25;
	s25 =	simm.s32 $0x15480;
	[sflag:s17] =	ssyncadd.s32 $0xFFFFE700  }
0x43: {  	[tilespmem:s25], [sflag:$0x5] =	stream.linear.gather [hbm4b:s31+s3], $0x1900, $0x38;
	[tilespmem:$0x1C080] =	vst v63  }
.Ltmp4:
0x44: {  	_ = 	snop;
	(pc) =	sbr.rel .LBB2_3-.Ltmp4, $4  }
0x45: {  	_ =	swait.ge [sflag:s17], $0x1900  }
0x46: {  	[sflag:s17] =	ssyncset.done $0x0  }
0x47: {  	s28 =	simm.s32 $0x13900;
	s26 =	simm.s32 $0x1;
	[sflag:s17] =	ssyncadd.s32 $0xFFFFE700  }
0x48: {  	[tilespmem:s19], [sflag:$0x1] =	stream.indirect.gather [hbm4b:s5+s18], $0x80, s16, s18, $0xb8;
	[tilespmem:$0x1C080] =	vst v63  }
.LBB2_6:
0x49: {  	s31 =	smul.u32 $0xA000, s30;
	_ =	sdelay $0x1  }
0x4a: {  	s31 =	sshrl.u32 s31, $0x2  }
0x4b: {  	s30 =	sadd.s32 $0x1, s30;
	s31 =	sadd.s32 $0x17080, s31  }
0x4c: {  	[tilespmem:s31], [sflag:s30] =	stream.indirect.gather [hbm4b:s5+s18], $0x80, s28, s18, $0xb8;
	[tilespmem:$0x1C080] =	vst v63  }
.LBB2_7:
0x4d: {  	s29 =	sand.u32 $0x1, s29;
	s26 =	sadd.s32 $0x1, s26  }
0x4e: {  	s30 =	smul.u32 $0xA000, s29;
	s31 =	sadd.s32 $0x1, s29;
	p1 =	sne.s32 s26, $0x33  }
.Ltmp5:
0x4f: {  	_ =	swait.ge [sflag:s31], $0x2800;
	(pc) =	sbr.rel @!p1 .LBB2_8-.Ltmp5, $4  }
0x50: {  	s30 =	sshrl.u32 s30, $0x2;
	[sflag:s31] =	ssyncset.done $0x0  }
0x51: {  	s29 =	sadd.s32 $0x3, s29;
	s30 =	sadd.s32 $0x17080, s30;
	[sflag:s31] =	ssyncadd.s32 $0xFFFFD800  }
0x52: {  	[spmem:s2] =	stream.indirect.scatter.add.f32 [tilespmem:s30], [sflag:s29], $0x80, s25, s18, $0xb8;
	[tilespmem:$0x1C080] =	vst v63  }
0x53: {  	s28 =	sadd.s32 $0x80, s28;
	s25 =	sadd.s32 $0x80, s25  }
.LBB2_3:
0x54: {  	s29 =	sadd.s32 $0xFFFFFFFF, s26  }
0x55: {  	p1 =	seq.s32 s29, $0x0  }
.Ltmp6:
0x56: {  	_ = 	snop;
	(pc) =	sbr.rel @p1 .LBB2_6-.Ltmp6, $2  }
0x57: {  	_ =	sdelay $0x2  }
0x58: {  	s30 =	sand.u32 $0x1, s26  }
0x59: {  	p1 =	seq.s32 s29, $0x31  }
.Ltmp7:
0x5a: {  	_ = 	snop;
	(pc) =	sbr.rel @p1 .LBB2_7-.Ltmp7, $1  }
0x5b: {  	_ =	sdelay $0x3  }
.Ltmp8:
0x5c: {  	(pc) =	sbr.rel .LBB2_6-.Ltmp8, $4  }
0x5d: {  	s31 =	sadd.s32 $0x3, s30  }
0x5e: {  	_ =	swait.ge [sflag:s31], $0x2800  }
0x5f: {  	[sflag:s31] =	ssyncset.done $0x0  }
0x60: {  	[sflag:s31] =	ssyncadd.s32 $0xFFFFD800  }
.LBB2_10:
0x61: {  	_ =	sfence.sel $0x180000  }
0x62: {  	[bflag:$0x0] =	sbarrier.arrive $0xFFFF  }
0x63: {  	p0 =	sne.s32 s4, $0x0;
	_ =	strace $0x9000004A  }
0x64: {  	s0 =	sadd.s32 @!p0 $0x100000, s0;
	[bflag:$0x2] =	sbarrier.arrive $0xFFFF  }
0x65: {  	[sflag:s0] =	ssyncadd.tile.s32 @!p0 $0x1;
	_ =	shalt  }
.Lfunc_end2:
_tile_overlayer_lowered:
.L_overlay_start_2:
0x66: {  	(tag) =	ssettag $0x2  }
0x67: {  	s0 =	rddreg [dreg:$0x0];
	s2 =	stileid.u32  }
0x68: {  	s1 =	rddreg [dreg:$0x1];
	p0 =	sne.s32 s2, $0x0  }
0x69: {  	s3 =	rddreg [dreg:$0x2];
	[bflag:$0x3] =	sbarrier.arrive $0xFFFF;
	s2 =	simm.s32 @!p0 $0x1C05  }
0x6a: {  	[timem:s3], [sflag:s2] =	dma.local @!p0 [hbm:s0], s1  }
0x6b: {  	s0 =	simm.s32 @!p0 $0x5  }
0x6c: {  	_ =	swait.ge @!p0 [sflag:s0], s1  }
0x6d: {  	s1 =	ssub.s32 @!p0 $0x0, s1;
	[sflag:s0] =	ssyncset.done @!p0 $0x0  }
0x6e: {  	[sflag:s0] =	ssyncadd.s32 @!p0 s1  }
0x6f: {  	[bflag:$0x3] =	sbarrier.arrive $0xFFFF  }
0x70: {  	_ =	shalt  }

// kernel: kernel.14.cloned.1.call-start
scs
__scs_entry_jumppad:
0x0: {  	(pc) =	sbr.rel $0x88, $3  }
0x1: {  	(tag) =	ssettag $0x0;
	lr =	simm.s32 $0x1  }
0x2: {  	[smem:$0x3F96] =	sst lr;
	_ =	strace $0xD0000000  }
0x3: {  	_ = 	snop  }
0x4: {  	_ = 	snop  }
0x5: {  	_ = 	snop  }
0x6: {  	_ = 	snop  }
0x7: {  	_ = 	snop  }
__scs_overlays_trampoline_lowered:
0x8: {  	[smem:$0x3FA5] =	sst s0  }
0x9: {  	[smem:$0x3FA6] =	sst s1  }
0xa: {  	[smem:$0x3FA7] =	sst s2  }
0xb: {  	[smem:$0x3FA8] =	sst s3  }
0xc: {  	[smem:$0x3FA9] =	sst s4  }
0xd: {  	[smem:$0x3FAA] =	sst s5  }
0xe: {  	[smem:$0x3FAB] =	sst s6  }
0xf: {  	[smem:$0x3FAC] =	sst s7  }
0x10: {  	[smem:$0x3FAD] =	sst s8  }
0x11: {  	[smem:$0x3FAE] =	sst s9;
	s0 =	simm.s32 @!p0 $0x0  }
0x12: {  	s1 =	sld [smem:$0x3F94];
	s0 =	simm.s32 @p0 $0x1  }
0x13: {  	[smem:$0x3FAF] =	sst s0;
	s0 =	simm.s32 @!p1 $0x0  }
0x14: {  	s2 =	sld [smem:$0x3F93];
	s0 =	simm.s32 @p1 $0x1  }
0x15: {  	[smem:$0x3FB0] =	sst s0;
	s0 =	simm.s32 @!p2 $0x0  }
0x16: {  	s3 =	sld [smem:$0x3FDB];
	s0 =	simm.s32 @p2 $0x1  }
0x17: {  	s4 =	simm.s32 $0x1BF5;
	[smem:$0x3FB2] =	sst s0  }
0x18: {  	s0 =	sld [smem:$0x3F95];
	_ =	swait.ge [sflag:s4], $0x0  }
0x19: {  	s7 =	sld [smem:$0x3F96]  }
0x1a: {  	s8 =	sadd.s32 $0xFFFFE003, lr  }
0x1b: {  	s9 =	sadd.s32 $0xFFFFFEF7, lr;
	s5 =	simm.s32 $0xFFFFFFFF;
	p2 =	slt.u32 s8, $0xFFFFF086  }
0x1c: {  	p1 =	slt.u32 s9, $0xF7A;
	s5 =	simm.s32 @!p2 $0x0  }
0x1d: {  	s5 =	simm.s32 @p1 $0x1;
	p0 =	seq.s32 s7, s2  }
0x1e: {  	s7 =	smul.u32 @!p0 $0xF7A, s2;
	p2 =	seq.s32 @!p0 s5, $0x0  }
0x1f: {  	s9 =	smul.u32 $0xF7A, s1;
	s8 =	simm.s32 @!p0 $0x1BF5;
	p2 =	por !p2, p0  }
0x20: {  	[sflag:s8] =	ssyncset.s32 @!p0 $0xFFFFF086;
	s6 =	sadd.s32 @!p0 s3, s7;
	s7 =	simm.s32 @!p0 $0x108  }
0x21: {  	s3 =	sadd.s32 s3, s9;
	s6 =	sadd.s32 @!p0 $0x88, s6;
	s7 =	simm.s32 @p2 $0x1082  }
0x22: {  	[simem:s7], [sflag:s8] =	dma.local @!p0 [hbm:s6], $0xF7A  }
0x23: {  	s9 =	sor.u32 $0xD0000000, s2;
	s6 =	simm.s32 $0x108;
	_ =	swait.ge @!p0 [sflag:s8], $0x0  }
0x24: {  	s3 =	sadd.s32 $0x88, s3;
	s6 =	simm.s32 @!p1 $0x1082;
	[sflag:s4] =	ssyncset.s32 $0xFFFFF086  }
0x25: {  	[simem:s6], [sflag:s4] =	dma.local [hbm:s3], $0xF7A  }
0x26: {  	[smem:$0x3F96] =	sst s1;
	(tag) =	ssettag s2;
	_ =	strace s9  }
0x27: {  	s1 =	sld [smem:$0x3FA6]  }
0x28: {  	s2 =	sld [smem:$0x3FA7]  }
0x29: {  	s4 =	sld [smem:$0x3FA9]  }
0x2a: {  	p0 =	seq.s32 s5, $0x0;
	s5 =	sld [smem:$0x3FAA]  }
0x2b: {  	s6 =	sld [smem:$0x3FAB]  }
0x2c: {  	s7 =	sld [smem:$0x3FAC]  }
0x2d: {  	s3 =	simm.s32 $0x108;
	s8 =	sld [smem:$0x3FAD]  }
0x2e: {  	s3 =	simm.s32 @!p0 $0x1082;
	s9 =	sld [smem:$0x3FAE]  }
0x2f: {  	lr =	sadd.s32 s0, s3;
	s0 =	sld [smem:$0x3FA5]  }
0x30: {  	s3 =	sld [smem:$0x3FA8]  }
0x31: {  	[smem:$0x3FB1] =	sst s10  }
0x32: {  	s10 =	sld [smem:$0x3FAF];
	_ =	sdelay $0x3  }
0x33: {  	p0 =	seq.s32 s10, $0x1;
	s10 =	sld [smem:$0x3FB1];
	_ =	sdelay $0x3  }
0x34: {  	[smem:$0x3FB1] =	sst s10  }
0x35: {  	s10 =	sld [smem:$0x3FB0];
	_ =	sdelay $0x3  }
0x36: {  	p1 =	seq.s32 s10, $0x1;
	s10 =	sld [smem:$0x3FB1];
	_ =	sdelay $0x3  }
0x37: {  	[smem:$0x3FB1] =	sst s10  }
0x38: {  	s10 =	sld [smem:$0x3FB2]  }
0x39: {  	_ = 	snop;
	(pc) =	sbr.ind lr, $3  }
0x3a: {  	_ = 	snop  }
0x3b: {  	_ = 	snop  }
0x3c: {  	p2 =	seq.s32 s10, $0x1;
	s10 =	sld [smem:$0x3FB1]  }
0x3d: {  	_ =	shalt  }
0x3e: {  	_ =	shalt  }
0x3f: {  	_ =	shalt  }
0x40: {  	_ =	shalt  }
0x41: {  	_ =	shalt  }
0x42: {  	_ =	shalt  }
0x43: {  	_ =	shalt  }
0x44: {  	_ =	shalt  }
0x45: {  	_ =	shalt  }
0x46: {  	_ =	shalt  }
0x47: {  	_ =	shalt  }
0x48: {  	_ =	shalt  }
0x49: {  	_ =	shalt  }
0x4a: {  	_ =	shalt  }
0x4b: {  	_ =	shalt  }
0x4c: {  	_ =	shalt  }
0x4d: {  	_ =	shalt  }
0x4e: {  	_ =	shalt  }
0x4f: {  	_ =	shalt  }
0x50: {  	_ =	shalt  }
0x51: {  	_ =	shalt  }
0x52: {  	_ =	shalt  }
0x53: {  	_ =	shalt  }
0x54: {  	_ =	shalt  }
0x55: {  	_ =	shalt  }
0x56: {  	_ =	shalt  }
0x57: {  	_ =	shalt  }
0x58: {  	_ =	shalt  }
0x59: {  	_ =	shalt  }
0x5a: {  	_ =	shalt  }
0x5b: {  	_ =	shalt  }
0x5c: {  	_ =	shalt  }
0x5d: {  	_ =	shalt  }
0x5e: {  	_ =	shalt  }
0x5f: {  	_ =	shalt  }
0x60: {  	_ =	shalt  }
0x61: {  	_ =	shalt  }
0x62: {  	_ =	shalt  }
0x63: {  	_ =	shalt  }
0x64: {  	_ =	shalt  }
0x65: {  	_ =	shalt  }
0x66: {  	_ =	shalt  }
0x67: {  	_ =	shalt  }
0x68: {  	_ =	shalt  }
0x69: {  	_ =	shalt  }
0x6a: {  	_ =	shalt  }
0x6b: {  	_ =	shalt  }
0x6c: {  	_ =	shalt  }
0x6d: {  	_ =	shalt  }
0x6e: {  	_ =	shalt  }
0x6f: {  	_ =	shalt  }
0x70: {  	_ =	shalt  }
0x71: {  	_ =	shalt  }
0x72: {  	_ =	shalt  }
0x73: {  	_ =	shalt  }
0x74: {  	_ =	shalt  }
0x75: {  	_ =	shalt  }
0x76: {  	_ =	shalt  }
0x77: {  	_ =	shalt  }
0x78: {  	_ =	shalt  }
0x79: {  	_ =	shalt  }
0x7a: {  	_ =	shalt  }
0x7b: {  	_ =	shalt  }
0x7c: {  	_ =	shalt  }
0x7d: {  	_ =	shalt  }
0x7e: {  	_ =	shalt  }
0x7f: {  	_ =	shalt  }
0x80: {  	_ =	shalt  }
0x81: {  	_ =	shalt  }
0x82: {  	_ =	shalt  }
0x83: {  	_ =	shalt  }
0x84: {  	_ =	shalt  }
0x85: {  	_ =	shalt  }
0x86: {  	_ =	shalt  }
0x87: {  	_ =	shalt  }
.Lfunc_end0:
.L_simem_size_0:
called_computation.2_lowered:
.L_overlay_start_0:
0x88: {  	s2 =	sld [smem:$0x3FD9]  }
0x89: {  	s3 =	sld [smem:$0x3FFE];
	_ =	sdelay $0x1  }
0x8a: {  	s1 =	srdreg.scid  }
0x8b: {  	s0 =	sand.u32 $0x1, s1  }
0x8c: {  	s16 =	sshll.u32 s0, $0xA;
	s2 =	sadd.s32 s3, s2  }
0x8d: {  	s2 =	sadd.s32 s2, s16  }
0x8e: {  	[smem:$0x3FBD] =	sst s2  }
0x8f: {  	_ = 	snop  }
0x90: {  	(tm) =	ssettm $0x1  }
0x91: {  	s17 =	sld [smem:$0x3FFB];
	_ =	sdelay $0x3  }
0x92: {  	_ =	strace s17  }
0x93: {  	s2 =	sld [smem:$0x3FFC];
	_ =	sdelay $0x3  }
0x94: {  	_ =	strace s2  }
0x95: {  	s2 =	sld [smem:$0x3FFD];
	_ =	sdelay $0x3  }
0x96: {  	_ =	strace s2  }
0x97: {  	_ =	strace $0x8FFFFFFF  }
0x98: {  	s18 =	sld [smem:$0x3FDB];
	_ =	sdelay $0x1  }
0x99: {  	s19 =	simm.s32 $_scs_section_size  }
0x9a: {  	s4 =	simm.s32 $_size__tile_overlayer_lowered;
	s5 =	simm.s32 $_tile_overlayer_lowered  }
0x9b: {  	s22 =	simm.s32 $0x1BFF;
	s21 =	sshll.u32 s5, $0x1;
	s2 =	sadd.s32 s19, s18  }
0x9c: {  	s6 =	simm.s32 $0x0;
	s20 =	sshll.u32 s4, $0x1;
	s4 =	sadd.s32 s21, s2  }
0x9d: {  	[timem:s6], [sflag:s22] =	dma.local [hbm:s4], s20  }
0x9e: {  	_ =	swait.ge [sflag:s22], s20  }
0x9f: {  	s3 =	ssub.s32 $0x0, s20;
	[sflag:s22] =	ssyncset.done $0x0  }
0xa0: {  	[sflag:s22] =	ssyncadd.s32 s3;
	_ =	sdelay $0x1  }
0xa1: {  	s23 =	simm.s32 $0x1B8B  }
0xa2: {  	_ =	swait.ge [sflag:s23], $0x1  }
0xa3: {  	[sflag:s23] =	ssyncset.done $0x0  }
0xa4: {  	s25 =	simm.s32 $0x1B8E;
	s24 =	sld [smem:$0x3FFE];
	[sflag:s23] =	ssyncadd.s32 $0xFFFFFFFF  }
0xa5: {  	s26 =	simm.s32 $execute0_lowered;
	[smem:$0x3FD2] =	sst s25  }
0xa6: {  	s4 =	sshll.u32 s26, $0x1;
	_ =	strace $0x8000004C;
	[dreg:$0x1] =	wrdreg $0xFFFFFFFF  }
0xa7: {  	s28 =	simm.s32 $_size_execute0_lowered;
	s2 =	sadd.s32 s2, s4;
	[dreg:$0x0] =	wrdreg $0x0  }
0xa8: {  	s4 =	sshll.u32 s28, $0x1;
	[dreg:$0x2] =	wrdreg s2  }
0xa9: {  	[dreg:$0x3] =	wrdreg s4  }
0xaa: {  	[dreg:$0x4] =	wrdreg $0xC0  }
0xab: {  	_ =	task [dreg:s6], $0x5FFFF  }
0xac: {  	[dreg:$0x1] =	wrdreg $0xFFFFFFFF  }
0xad: {  	[dreg:$0x0] =	wrdreg $0x60  }
0xae: {  	[dreg:$0x2] =	wrdreg s24  }
0xaf: {  	[dreg:$0x3] =	wrdreg $0x9  }
0xb0: {  	_ =	task.clear_ibuf [dreg:s6], $0x4FFFF;
	_ =	strace $0x9000004C  }
0xb1: {  	s29 =	simm.s32 $0x9;
	_ =	strace $0x8000004E  }
0xb2: {  	_ =	swait.ge [sflag:s29], $0x1  }
0xb3: {  	[sflag:s29] =	ssyncadd.s32 $0xFFFFFFFF  }
0xb4: {  	_ =	strace $0x9000004E  }
0xb5: {  	_ =	sfence  }
0xb6: {  	s30 =	sld [smem:$0x0];
	_ =	sdelay $0x2  }
0xb7: {  	s31 =	sshll.u32 s1, $0xD;
	s1 =	sshrl.u32 s1, $0x2  }
0xb8: {  	s3 =	sand.u32 $0x4000, s31;
	s1 =	sadd.s32 s1, s30  }
0xb9: {  	s0 =	sor.u32 s3, s0;
	s1 =	sshll.u32 s1, $0x11  }
0xba: {  	s0 =	sor.u32 s1, s0  }
0xbb: {  	s0 =	sadd.s32 $0x8F2B, s0  }
0xbc: {  	[sflag:s0] =	ssyncadd.remote.s32 $0x1  }
0xbd: {  	_ =	sfence.sel $0xFFFF  }
0xbe: {  	[dreg:$0x0] =	wrdreg $0xFFFFFFFF;
	(pc) =	sbr.abs _section_cstart, $3  }
0xbf: {  	[dreg:$0x1] =	wrdreg $0xFFFFFFFF  }
0xc0: {  	_ =	task.clear_ibuf [dreg:s6], $0x2FFFF;
	_ =	strace $0x9FFFFFFF  }
0xc1: {  	(tm) =	ssettm $0x7FFFFFFF  }
tec
execute0_lowered:
.L_overlay_start_1:
0x0: {  	(tag) =	ssettag $0x1  }
0x1: {  	s3 =	rddreg [dreg:$0x0]  }
0x2: {  	s0 =	rddreg [dreg:$0x1];
	s1 =	simm.s32 $0x0  }
0x3: {  	s2 =	srdreg.scid;
	s9 =	simm.s32 $0x1;
	s10 =	simm.s32 $0x0  }
0x4: {  	[smem:$0x7FF] =	sst s1;
	s4 =	sand.u32 $0x1, s2;
	s2 =	sadd.s32 $0x2800, s3  }
0x5: {  	s5 =	sshll.u32 s4, $0xB;
	s6 =	sshll.u32 s4, $0x12;
	s4 =	ssub.s32 $0x2, s4  }
0x6: {  	_ =	strace $0x8000004D;
	s5 =	sadd.s32 s5, s3;
	s7 =	sshrl.u32 s4, $0x1  }
0x7: {  	s6 =	sadd.s32 s6, s3;
	s3 =	stileid.u32;
	s4 =	ssub.s32 s4, s7  }
0x8: {  	s30 =	sshll.u32 s3, $0xE;
	s8 =	sshll.u32 s3, $0x7;
	s7 =	simm.s32 $0x2  }
0x9: {  	s4 =	smax.u32 s4, $0x1;
	s6 =	sadd.s32 s30, s6;
	s31 =	sadd.s32 s8, s5  }
0xa: {  	s8 =	simm.s32 $0x80;
	s5 =	sadd.s32 $0x50A00, s6;
	s6 =	sadd.s32 $0x1800, s31  }
.LBB2_1:
0xb: {  	s11 =	sadd.s32 $0x0, s6  }
0xc: {  	[tilespmem:s1], [sflag:$0x2] =	stream.linear.gather [hbm4b:s11+s1], $0x80, $0x38;
	[tilespmem:$0x4080] =	vst v63  }
0xd: {  	_ =	swait.ge [sflag:s7], $0x80  }
0xe: {  	[sflag:s7] =	ssyncset.done $0x0  }
0xf: {  	[sflag:s7] =	ssyncadd.s32 $0xFFFFFF80  }
0x10: {  	[tilespmem:s8], [sflag:$0x1] =	stream.indirect.gather [hbm4b:s2+s8], $0x80, s1, s8, $0xb8;
	[tilespmem:$0x4080] =	vst v63  }
0x11: {  	_ =	swait.ge [sflag:s9], $0x4000  }
0x12: {  	[sflag:s9] =	ssyncset.done $0x0  }
0x13: {  	[sflag:s9] =	ssyncadd.s32 $0xFFFFC000  }
0x14: {  	[hbm4b:s5+s1] =	stream.linear.scatter [tilespmem:s8], [sflag:$0x2], $0x4000, $0x38;
	[tilespmem:$0x4080] =	vst v63  }
0x15: {  	s12 =	simm.s32 $0x10;
	_ =	swait.ge [sflag:s7], $0x4000  }
0x16: {  	s13 =	simm.s32 $0x20;
	s11 =	sadd.s32 $0x800, s5;
	[sflag:s7] =	ssyncset.done $0x0  }
.LBB2_2:
0x17: {  	s14 =	sadd.s32 s12, s6  }
0x18: {  	[sflag:s7] =	ssyncadd.s32 $0xFFFFC000;
	s12 =	smov.u32 s13;
	s15 =	sadd.s32 $0x10, s13  }
0x19: {  	[tilespmem:s1], [sflag:$0x2] =	stream.linear.gather [hbm4b:s14+s1], $0x80, $0x38;
	[tilespmem:$0x4080] =	vst v63  }
0x1a: {  	p0 =	sne.s32 s13, $0x70;
	_ =	swait.ge [sflag:s7], $0x80  }
0x1b: {  	[sflag:s7] =	ssyncset.done $0x0  }
0x1c: {  	[sflag:s7] =	ssyncadd.s32 $0xFFFFFF80  }
0x1d: {  	[tilespmem:s8], [sflag:$0x1] =	stream.indirect.gather [hbm4b:s2+s8], $0x80, s1, s8, $0xb8;
	[tilespmem:$0x4080] =	vst v63  }
0x1e: {  	_ =	swait.ge [sflag:s9], $0x4000  }
.Ltmp0:
0x1f: {  	[sflag:s9] =	ssyncset.done $0x0;
	(pc) =	sbr.rel @p0 .LBB2_2-.Ltmp0, $4  }
0x20: {  	[sflag:s9] =	ssyncadd.s32 $0xFFFFC000  }
0x21: {  	[hbm4b:s11+s1] =	stream.linear.scatter [tilespmem:s8], [sflag:$0x2], $0x4000, $0x38;
	[tilespmem:$0x4080] =	vst v63  }
0x22: {  	_ =	swait.ge [sflag:s7], $0x4000  }
0x23: {  	s13 =	smov.u32 s15;
	s11 =	sadd.s32 $0x800, s11;
	[sflag:s7] =	ssyncset.done $0x0  }
0x24: {  	s12 =	sadd.s32 s12, s6;
	[sflag:s7] =	ssyncadd.s32 $0xFFFFC000  }
0x25: {  	[tilespmem:s1], [sflag:$0x2] =	stream.linear.gather [hbm4b:s12+s1], $0x80, $0x38;
	[tilespmem:$0x4080] =	vst v63  }
0x26: {  	_ =	swait.ge [sflag:s7], $0x80  }
0x27: {  	[sflag:s7] =	ssyncset.done $0x0  }
0x28: {  	[sflag:s7] =	ssyncadd.s32 $0xFFFFFF80  }
0x29: {  	[tilespmem:s8], [sflag:$0x1] =	stream.indirect.gather [hbm4b:s2+s8], $0x80, s1, s8, $0xb8;
	[tilespmem:$0x4080] =	vst v63  }
0x2a: {  	s10 =	sadd.s32 $0x1, s10;
	_ =	swait.ge [sflag:s9], $0x4000  }
0x2b: {  	p0 =	sne.s32 s10, s4;
	[sflag:s9] =	ssyncset.done $0x0  }
.Ltmp1:
0x2c: {  	[sflag:s9] =	ssyncadd.s32 $0xFFFFC000;
	(pc) =	sbr.rel @p0 .LBB2_1-.Ltmp1, $4  }
0x2d: {  	[hbm4b:s11+s1] =	stream.linear.scatter [tilespmem:s8], [sflag:$0x2], $0x4000, $0x38;
	[tilespmem:$0x4080] =	vst v63  }
0x2e: {  	_ =	swait.ge [sflag:s7], $0x4000  }
0x2f: {  	[sflag:s7] =	ssyncset.done $0x0  }
0x30: {  	[sflag:s7] =	ssyncadd.s32 $0xFFFFC000  }
0x31: {  	_ =	sfence.sel $0x180000  }
0x32: {  	[bflag:$0x0] =	sbarrier.arrive $0xFFFF  }
0x33: {  	p0 =	sne.s32 s3, $0x0;
	_ =	strace $0x9000004D  }
0x34: {  	s0 =	sadd.s32 @!p0 $0x100000, s0;
	[bflag:$0x2] =	sbarrier.arrive $0xFFFF  }
0x35: {  	[sflag:s0] =	ssyncadd.tile.s32 @!p0 $0x1;
	_ =	shalt  }
.Lfunc_end2:
_tile_overlayer_lowered:
.L_overlay_start_2:
0x36: {  	(tag) =	ssettag $0x2  }
0x37: {  	s0 =	rddreg [dreg:$0x0];
	s2 =	stileid.u32  }
0x38: {  	s1 =	rddreg [dreg:$0x1];
	p0 =	sne.s32 s2, $0x0  }
0x39: {  	s3 =	rddreg [dreg:$0x2];
	[bflag:$0x3] =	sbarrier.arrive $0xFFFF;
	s2 =	simm.s32 @!p0 $0x1C02  }
0x3a: {  	[timem:s3], [sflag:s2] =	dma.local @!p0 [hbm:s0], s1  }
0x3b: {  	s0 =	simm.s32 @!p0 $0x2  }
0x3c: {  	_ =	swait.ge @!p0 [sflag:s0], s1  }
0x3d: {  	s1 =	ssub.s32 @!p0 $0x0, s1;
	[sflag:s0] =	ssyncset.done @!p0 $0x0  }
0x3e: {  	[sflag:s0] =	ssyncadd.s32 @!p0 s1  }
0x3f: {  	[bflag:$0x3] =	sbarrier.arrive $0xFFFF  }
0x40: {  	_ =	shalt  }

// kernel: kernel.8.cloned.1.call-start
scs
__scs_entry_jumppad:
0x0: {  	(pc) =	sbr.rel $0x88, $3  }
0x1: {  	(tag) =	ssettag $0x0;
	lr =	simm.s32 $0x1  }
0x2: {  	[smem:$0x3F96] =	sst lr;
	_ =	strace $0xD0000000  }
0x3: {  	_ = 	snop  }
0x4: {  	_ = 	snop  }
0x5: {  	_ = 	snop  }
0x6: {  	_ = 	snop  }
0x7: {  	_ = 	snop  }
__scs_overlays_trampoline_lowered:
0x8: {  	[smem:$0x3FA5] =	sst s0  }
0x9: {  	[smem:$0x3FA6] =	sst s1  }
0xa: {  	[smem:$0x3FA7] =	sst s2  }
0xb: {  	[smem:$0x3FA8] =	sst s3  }
0xc: {  	[smem:$0x3FA9] =	sst s4  }
0xd: {  	[smem:$0x3FAA] =	sst s5  }
0xe: {  	[smem:$0x3FAB] =	sst s6  }
0xf: {  	[smem:$0x3FAC] =	sst s7  }
0x10: {  	[smem:$0x3FAD] =	sst s8  }
0x11: {  	[smem:$0x3FAE] =	sst s9;
	s0 =	simm.s32 @!p0 $0x0  }
0x12: {  	s1 =	sld [smem:$0x3F94];
	s0 =	simm.s32 @p0 $0x1  }
0x13: {  	[smem:$0x3FAF] =	sst s0;
	s0 =	simm.s32 @!p1 $0x0  }
0x14: {  	s2 =	sld [smem:$0x3F93];
	s0 =	simm.s32 @p1 $0x1  }
0x15: {  	[smem:$0x3FB0] =	sst s0;
	s0 =	simm.s32 @!p2 $0x0  }
0x16: {  	s3 =	sld [smem:$0x3FDB];
	s0 =	simm.s32 @p2 $0x1  }
0x17: {  	s4 =	simm.s32 $0x1BF5;
	[smem:$0x3FB2] =	sst s0  }
0x18: {  	s0 =	sld [smem:$0x3F95];
	_ =	swait.ge [sflag:s4], $0x0  }
0x19: {  	s7 =	sld [smem:$0x3F96]  }
0x1a: {  	s8 =	sadd.s32 $0xFFFFE003, lr  }
0x1b: {  	s9 =	sadd.s32 $0xFFFFFEF7, lr;
	s5 =	simm.s32 $0xFFFFFFFF;
	p2 =	slt.u32 s8, $0xFFFFF086  }
0x1c: {  	p1 =	slt.u32 s9, $0xF7A;
	s5 =	simm.s32 @!p2 $0x0  }
0x1d: {  	s5 =	simm.s32 @p1 $0x1;
	p0 =	seq.s32 s7, s2  }
0x1e: {  	s7 =	smul.u32 @!p0 $0xF7A, s2;
	p2 =	seq.s32 @!p0 s5, $0x0  }
0x1f: {  	s9 =	smul.u32 $0xF7A, s1;
	s8 =	simm.s32 @!p0 $0x1BF5;
	p2 =	por !p2, p0  }
0x20: {  	[sflag:s8] =	ssyncset.s32 @!p0 $0xFFFFF086;
	s6 =	sadd.s32 @!p0 s3, s7;
	s7 =	simm.s32 @!p0 $0x108  }
0x21: {  	s3 =	sadd.s32 s3, s9;
	s6 =	sadd.s32 @!p0 $0x88, s6;
	s7 =	simm.s32 @p2 $0x1082  }
0x22: {  	[simem:s7], [sflag:s8] =	dma.local @!p0 [hbm:s6], $0xF7A  }
0x23: {  	s9 =	sor.u32 $0xD0000000, s2;
	s6 =	simm.s32 $0x108;
	_ =	swait.ge @!p0 [sflag:s8], $0x0  }
0x24: {  	s3 =	sadd.s32 $0x88, s3;
	s6 =	simm.s32 @!p1 $0x1082;
	[sflag:s4] =	ssyncset.s32 $0xFFFFF086  }
0x25: {  	[simem:s6], [sflag:s4] =	dma.local [hbm:s3], $0xF7A  }
0x26: {  	[smem:$0x3F96] =	sst s1;
	(tag) =	ssettag s2;
	_ =	strace s9  }
0x27: {  	s1 =	sld [smem:$0x3FA6]  }
0x28: {  	s2 =	sld [smem:$0x3FA7]  }
0x29: {  	s4 =	sld [smem:$0x3FA9]  }
0x2a: {  	p0 =	seq.s32 s5, $0x0;
	s5 =	sld [smem:$0x3FAA]  }
0x2b: {  	s6 =	sld [smem:$0x3FAB]  }
0x2c: {  	s7 =	sld [smem:$0x3FAC]  }
0x2d: {  	s3 =	simm.s32 $0x108;
	s8 =	sld [smem:$0x3FAD]  }
0x2e: {  	s3 =	simm.s32 @!p0 $0x1082;
	s9 =	sld [smem:$0x3FAE]  }
0x2f: {  	lr =	sadd.s32 s0, s3;
	s0 =	sld [smem:$0x3FA5]  }
0x30: {  	s3 =	sld [smem:$0x3FA8]  }
0x31: {  	[smem:$0x3FB1] =	sst s10  }
0x32: {  	s10 =	sld [smem:$0x3FAF];
	_ =	sdelay $0x3  }
0x33: {  	p0 =	seq.s32 s10, $0x1;
	s10 =	sld [smem:$0x3FB1];
	_ =	sdelay $0x3  }
0x34: {  	[smem:$0x3FB1] =	sst s10  }
0x35: {  	s10 =	sld [smem:$0x3FB0];
	_ =	sdelay $0x3  }
0x36: {  	p1 =	seq.s32 s10, $0x1;
	s10 =	sld [smem:$0x3FB1];
	_ =	sdelay $0x3  }
0x37: {  	[smem:$0x3FB1] =	sst s10  }
0x38: {  	s10 =	sld [smem:$0x3FB2]  }
0x39: {  	_ = 	snop;
	(pc) =	sbr.ind lr, $3  }
0x3a: {  	_ = 	snop  }
0x3b: {  	_ = 	snop  }
0x3c: {  	p2 =	seq.s32 s10, $0x1;
	s10 =	sld [smem:$0x3FB1]  }
0x3d: {  	_ =	shalt  }
0x3e: {  	_ =	shalt  }
0x3f: {  	_ =	shalt  }
0x40: {  	_ =	shalt  }
0x41: {  	_ =	shalt  }
0x42: {  	_ =	shalt  }
0x43: {  	_ =	shalt  }
0x44: {  	_ =	shalt  }
0x45: {  	_ =	shalt  }
0x46: {  	_ =	shalt  }
0x47: {  	_ =	shalt  }
0x48: {  	_ =	shalt  }
0x49: {  	_ =	shalt  }
0x4a: {  	_ =	shalt  }
0x4b: {  	_ =	shalt  }
0x4c: {  	_ =	shalt  }
0x4d: {  	_ =	shalt  }
0x4e: {  	_ =	shalt  }
0x4f: {  	_ =	shalt  }
0x50: {  	_ =	shalt  }
0x51: {  	_ =	shalt  }
0x52: {  	_ =	shalt  }
0x53: {  	_ =	shalt  }
0x54: {  	_ =	shalt  }
0x55: {  	_ =	shalt  }
0x56: {  	_ =	shalt  }
0x57: {  	_ =	shalt  }
0x58: {  	_ =	shalt  }
0x59: {  	_ =	shalt  }
0x5a: {  	_ =	shalt  }
0x5b: {  	_ =	shalt  }
0x5c: {  	_ =	shalt  }
0x5d: {  	_ =	shalt  }
0x5e: {  	_ =	shalt  }
0x5f: {  	_ =	shalt  }
0x60: {  	_ =	shalt  }
0x61: {  	_ =	shalt  }
0x62: {  	_ =	shalt  }
0x63: {  	_ =	shalt  }
0x64: {  	_ =	shalt  }
0x65: {  	_ =	shalt  }
0x66: {  	_ =	shalt  }
0x67: {  	_ =	shalt  }
0x68: {  	_ =	shalt  }
0x69: {  	_ =	shalt  }
0x6a: {  	_ =	shalt  }
0x6b: {  	_ =	shalt  }
0x6c: {  	_ =	shalt  }
0x6d: {  	_ =	shalt  }
0x6e: {  	_ =	shalt  }
0x6f: {  	_ =	shalt  }
0x70: {  	_ =	shalt  }
0x71: {  	_ =	shalt  }
0x72: {  	_ =	shalt  }
0x73: {  	_ =	shalt  }
0x74: {  	_ =	shalt  }
0x75: {  	_ =	shalt  }
0x76: {  	_ =	shalt  }
0x77: {  	_ =	shalt  }
0x78: {  	_ =	shalt  }
0x79: {  	_ =	shalt  }
0x7a: {  	_ =	shalt  }
0x7b: {  	_ =	shalt  }
0x7c: {  	_ =	shalt  }
0x7d: {  	_ =	shalt  }
0x7e: {  	_ =	shalt  }
0x7f: {  	_ =	shalt  }
0x80: {  	_ =	shalt  }
0x81: {  	_ =	shalt  }
0x82: {  	_ =	shalt  }
0x83: {  	_ =	shalt  }
0x84: {  	_ =	shalt  }
0x85: {  	_ =	shalt  }
0x86: {  	_ =	shalt  }
0x87: {  	_ =	shalt  }
.Lfunc_end0:
.L_simem_size_0:
called_computation_lowered:
.L_overlay_start_0:
0x88: {  	s2 =	sld [smem:$0x3FD9]  }
0x89: {  	s3 =	sld [smem:$0x3FFE];
	_ =	sdelay $0x1  }
0x8a: {  	s1 =	srdreg.scid  }
0x8b: {  	s0 =	sand.u32 $0x1, s1  }
0x8c: {  	s17 =	sshll.u32 s0, $0xA;
	s2 =	sadd.s32 s3, s2  }
0x8d: {  	s2 =	sadd.s32 s2, s17  }
0x8e: {  	[smem:$0x3FBD] =	sst s2  }
0x8f: {  	_ = 	snop  }
0x90: {  	s2 =	sld [smem:$0x3FD0];
	(tm) =	ssettm $0x1  }
0x91: {  	s18 =	sld [smem:$0x3FFB];
	_ =	sdelay $0x3  }
0x92: {  	_ =	strace s18  }
0x93: {  	s3 =	sld [smem:$0x3FFC];
	_ =	sdelay $0x3  }
0x94: {  	_ =	strace s3  }
0x95: {  	s3 =	sld [smem:$0x3FFD];
	_ =	sdelay $0x3  }
0x96: {  	_ =	strace s3  }
0x97: {  	_ =	strace $0x8FFFFFFF  }
0x98: {  	s19 =	sld [smem:$0x3FDB];
	_ =	sdelay $0x1  }
0x99: {  	s4 =	simm.s32 $_scs_section_size  }
0x9a: {  	s5 =	simm.s32 $_size__tile_overlayer_lowered;
	s6 =	simm.s32 $_tile_overlayer_lowered  }
0x9b: {  	s22 =	simm.s32 $0x1BFF;
	s21 =	sshll.u32 s6, $0x1;
	s3 =	sadd.s32 s4, s19  }
0x9c: {  	s7 =	simm.s32 $0x0;
	s20 =	sshll.u32 s5, $0x1;
	s5 =	sadd.s32 s21, s3  }
0x9d: {  	[timem:s7], [sflag:s22] =	dma.local [hbm:s5], s20  }
0x9e: {  	_ =	swait.ge [sflag:s22], s20  }
0x9f: {  	s4 =	ssub.s32 $0x0, s20;
	[sflag:s22] =	ssyncset.done $0x0  }
0xa0: {  	[sflag:s22] =	ssyncadd.s32 s4;
	_ =	sdelay $0x1  }
0xa1: {  	s23 =	simm.s32 $0x1B8B  }
0xa2: {  	_ =	swait.ge [sflag:s23], $0x1  }
0xa3: {  	[sflag:s23] =	ssyncset.done $0x0  }
0xa4: {  	s25 =	simm.s32 $0x1B8E;
	s24 =	sld [smem:$0x3FFE];
	[sflag:s23] =	ssyncadd.s32 $0xFFFFFFFF  }
0xa5: {  	s26 =	simm.s32 $execute0_lowered;
	[smem:$0x3FD2] =	sst s25  }
0xa6: {  	s5 =	sshll.u32 s26, $0x1;
	_ =	strace $0x80000046;
	[dreg:$0x1] =	wrdreg $0xFFFFFFFF  }
0xa7: {  	s28 =	simm.s32 $_size_execute0_lowered;
	s3 =	sadd.s32 s3, s5;
	[dreg:$0x0] =	wrdreg $0x0  }
0xa8: {  	s5 =	sshll.u32 s28, $0x1;
	[dreg:$0x2] =	wrdreg s3  }
0xa9: {  	[dreg:$0x3] =	wrdreg s5  }
0xaa: {  	[dreg:$0x4] =	wrdreg $0xC0  }
0xab: {  	_ =	task [dreg:s7], $0x5FFFF  }
0xac: {  	[dreg:$0x1] =	wrdreg $0xFFFFFFFF  }
0xad: {  	[dreg:$0x0] =	wrdreg $0x60  }
0xae: {  	[dreg:$0x2] =	wrdreg s24  }
0xaf: {  	[dreg:$0x3] =	wrdreg s2  }
0xb0: {  	[dreg:$0x4] =	wrdreg $0x0  }
0xb1: {  	[dreg:$0x5] =	wrdreg $0x9  }
0xb2: {  	_ =	task.clear_ibuf [dreg:s7], $0x6FFFF;
	_ =	strace $0x90000046  }
0xb3: {  	s29 =	simm.s32 $0x9;
	_ =	strace $0x80000048  }
0xb4: {  	_ =	swait.ge [sflag:s29], $0x1  }
0xb5: {  	[sflag:s29] =	ssyncadd.s32 $0xFFFFFFFF  }
0xb6: {  	_ =	strace $0x90000048  }
0xb7: {  	_ =	sfence  }
0xb8: {  	s30 =	sld [smem:$0x0];
	_ =	sdelay $0x2  }
0xb9: {  	s31 =	sshll.u32 s1, $0xD;
	s1 =	sshrl.u32 s1, $0x2  }
0xba: {  	s3 =	sand.u32 $0x4000, s31;
	s1 =	sadd.s32 s1, s30  }
0xbb: {  	s0 =	sor.u32 s3, s0;
	s1 =	sshll.u32 s1, $0x11  }
0xbc: {  	s0 =	sor.u32 s1, s0  }
0xbd: {  	s0 =	sadd.s32 $0x8F2B, s0  }
0xbe: {  	[sflag:s0] =	ssyncadd.remote.s32 $0x1  }
0xbf: {  	_ =	sfence.sel $0xFFFF  }
0xc0: {  	[dreg:$0x0] =	wrdreg $0xFFFFFFFF;
	(pc) =	sbr.abs _section_cstart, $3  }
0xc1: {  	[dreg:$0x1] =	wrdreg $0xFFFFFFFF  }
0xc2: {  	_ =	task.clear_ibuf [dreg:s7], $0x2FFFF;
	_ =	strace $0x9FFFFFFF  }
0xc3: {  	(tm) =	ssettm $0x7FFFFFFF  }
tec
execute0_lowered:
.L_overlay_start_1:
0x0: {  	(tag) =	ssettag $0x1  }
0x1: {  	s8 =	rddreg [dreg:$0x0]  }
0x2: {  	s1 =	rddreg [dreg:$0x1]  }
0x3: {  	s2 =	rddreg [dreg:$0x2]  }
0x4: {  	s0 =	rddreg [dreg:$0x3];
	s4 =	simm.s32 $0x0;
	s5 =	srdreg.scid  }
0x5: {  	s3 =	stileid.u32;
	s14 =	simm.s32 $0x3;
	s18 =	simm.s32 $0x13880  }
0x6: {  	s19 =	simm.s32 $0x50;
	s20 =	simm.s32 $0x1;
	s21 =	simm.s32 $0x2  }
0x7: {  	s22 =	simm.s32 $0x0;
	[smem:$0x7FF] =	sst s4;
	s10 =	smul.u32 $0x50000, s3  }
0x8: {  	s9 =	sand.u32 $0x1, s5;
	s5 =	sadd.s32 $0x1800, s8;
	s6 =	smul.u32 $0xFA0, s3  }
0x9: {  	s7 =	sadd.s32 $0x28A00, s8;
	s8 =	sadd.s32 $0x29000, s8;
	s15 =	sadd.s32 $0x12C000, s2  }
0xa: {  	p0 =	seq.s32 s3, $0xF;
	_ =	strace $0x80000047;
	s13 =	smul.u32 $0x9C400, s9  }
0xb: {  	s11 =	ssub.s32 $0x2, s9;
	s9 =	smul.u32 $0xA, s9;
	s16 =	sshll.u32 @!p0 s3, $0x6  }
.Ltmp0:
0xc: {  	s15 =	sshrl.u32 @p0 s15, $0x3;
	s12 =	sshrl.u32 s11, $0x1;
	(pc) =	sbr.rel .LBB2_1-.Ltmp0, $4  }
0xd: {  	s10 =	sshrl.u32 s10, $0x2;
	s16 =	sor.u32 @!p0 $0x1C03, s16;
	s31 =	sadd.s32 s6, s13  }
0xe: {  	s11 =	ssub.s32 s11, s12;
	s17 =	sadd.s32 s10, s2;
	s12 =	sadd.s32 $0x50, s31  }
0xf: {  	s10 =	smul.u32 $0x14000, s3;
	s13 =	simm.s32 $0x13980;
	s12 =	sshrl.u32 s12, $0x3  }
0x10: {  	s11 =	smax.u32 s11, $0x1;
	s17 =	sshrl.u32 @!p0 s17, $0x3;
	s12 =	sadd.s32 s12, s5  }
.LBB2_8:
0x11: {  	s22 =	sadd.s32 $0x1, s22  }
0x12: {  	p1 =	sne.s32 s22, s11  }
.Ltmp1:
0x13: {  	_ = 	snop;
	(pc) =	sbr.rel @!p1 .LBB2_9-.Ltmp1, $1  }
0x14: {  	_ =	sdelay $0x3  }
.LBB2_1:
0x15: {  	[tilespmem:s13], [sflag:$0x3] =	stream.linear.gather [hbm4b:s7+s4], $0x2800, $0x38;
	[tilespmem:$0x16180] =	vst v63  }
0x16: {  	_ =	swait.ge [sflag:s14], $0x2800  }
0x17: {  	[sflag:s14] =	ssyncset.done $0x0  }
0x18: {  	s23 =	simm.s32 @p0 $0x1FC3;
	[sflag:s14] =	ssyncadd.s32 $0xFFFFD800  }
0x19: {  	[spmem:s15], [sflag:s23] =	dma.local @p0 [hbm:s1], $0x1900  }
0x1a: {  	s23 =	simm.s32 @p0 $0x3  }
0x1b: {  	_ =	swait.ge @p0 [sflag:s23], $0x1900  }
0x1c: {  	[sflag:s23] =	ssyncset.done @p0 $0x0  }
0x1d: {  	[sflag:s23] =	ssyncadd.s32 @p0 $0xFFFFE700;
	s23 =	simm.s32 @!p0 $0x3  }
0x1e: {  	[spmem:s17], [sflag:s16] =	dma.local @!p0 [hbm:s1], $0x2800  }
.Ltmp2:
0x1f: {  	_ =	swait.ge @!p0 [sflag:s23], $0x2800;
	(pc) =	sbr.rel .LBB2_2-.Ltmp2, $4  }
0x20: {  	[sflag:s23] =	ssyncset.done @!p0 $0x0  }
0x21: {  	[sflag:s23] =	ssyncadd.s32 @!p0 $0xFFFFD800  }
0x22: {  	[bflag:$0x0] =	sbarrier.arrive $0xFFFF  }
0x23: {  	s24 =	simm.s32 $0x0;
	s23 =	smov.u32 s12  }
.LBB2_7:
0x24: {  	_ =	swait.ge [sflag:s20], $0x2800  }
0x25: {  	[sflag:s20] =	ssyncset.done $0x0  }
0x26: {  	s25 =	smul.u32 $0x138800, s25;
	[sflag:s20] =	ssyncadd.s32 $0xFFFFD800  }
0x27: {  	_ =	swait.ge [sflag:s21], $0x2800  }
0x28: {  	s26 =	sshrl.u32 @p0 s25, $0x3;
	[sflag:s21] =	ssyncset.done $0x0  }
0x29: {  	s26 =	sadd.s32 @p0 s8, s26;
	[sflag:s21] =	ssyncadd.s32 $0xFFFFD800  }
0x2a: {  	s28 =	simm.s32 @p0 $0x1FC3;
	s26 =	sadd.s32 @p0 $0x25800, s26;
	[bflag:$0x0] =	sbarrier.arrive $0xFFFF  }
0x2b: {  	[hbm:s26], [sflag:s28] =	dma.local @p0 [spmem:s15], $0x1900  }
0x2c: {  	s26 =	simm.s32 @p0 $0x3  }
0x2d: {  	_ =	swait.ge @p0 [sflag:s26], $0x1900  }
0x2e: {  	[sflag:s26] =	ssyncset.done @p0 $0x0  }
0x2f: {  	[sflag:s26] =	ssyncadd.s32 @p0 $0xFFFFE700  }
0x30: {  	[spmem:s15], [sflag:s28] =	dma.local @p0 [hbm:s1], $0x1900  }
0x31: {  	s25 =	sadd.s32 @!p0 s10, s25;
	_ =	swait.ge @p0 [sflag:s26], $0x1900  }
0x32: {  	s25 =	sshrl.u32 @!p0 s25, $0x3;
	[sflag:s26] =	ssyncset.done @p0 $0x0  }
0x33: {  	s25 =	sadd.s32 @!p0 s8, s25;
	[sflag:s26] =	ssyncadd.s32 @p0 $0xFFFFE700  }
0x34: {  	[hbm:s25], [sflag:s16] =	dma.local @!p0 [spmem:s17], $0x2800  }
0x35: {  	s25 =	simm.s32 @!p0 $0x3  }
0x36: {  	_ =	swait.ge @!p0 [sflag:s25], $0x2800  }
0x37: {  	s24 =	sadd.s32 $0x1, s24;
	[sflag:s25] =	ssyncset.done @!p0 $0x0  }
0x38: {  	p1 =	sne.s32 s24, $0xA;
	[sflag:s25] =	ssyncadd.s32 @!p0 $0xFFFFD800  }
0x39: {  	[spmem:s17], [sflag:s16] =	dma.local @!p0 [hbm:s1], $0x2800  }
.Ltmp3:
0x3a: {  	_ =	swait.ge @!p0 [sflag:s25], $0x2800;
	(pc) =	sbr.rel @!p1 .LBB2_8-.Ltmp3, $4  }
0x3b: {  	[sflag:s25] =	ssyncset.done @!p0 $0x0  }
0x3c: {  	[sflag:s25] =	ssyncadd.s32 @!p0 $0xFFFFD800  }
0x3d: {  	[bflag:$0x0] =	sbarrier.arrive $0xFFFF  }
0x3e: {  	s23 =	sadd.s32 $0x1F40, s23  }
.LBB2_2:
0x3f: {  	s25 =	sadd.s32 s9, s24  }
0x40: {  	s26 =	smul.u32 $0xFA00, s25;
	_ =	sdelay $0x1  }
0x41: {  	s26 =	sadd.s32 s6, s26  }
0x42: {  	s26 =	sshrl.u32 s26, $0x3  }
.Ltmp4:
0x43: {  	s26 =	sadd.s32 s5, s26;
	(pc) =	sbr.rel .LBB2_3-.Ltmp4, $4  }
0x44: {  	[tilespmem:s18], [sflag:$0x3] =	stream.linear.gather [hbm4b:s26+s4], $0x50, $0x38;
	[tilespmem:$0x16180] =	vst v63  }
0x45: {  	_ =	swait.ge [sflag:s14], $0x50  }
0x46: {  	[sflag:s14] =	ssyncset.done $0x0  }
0x47: {  	s28 =	smov.u32 s23;
	s26 =	simm.s32 $0x1;
	[sflag:s14] =	ssyncadd.s32 $0xFFFFFFB0  }
.LBB2_6:
0x48: {  	s26 =	sadd.s32 $0x1, s26  }
0x49: {  	s29 =	sshll.u32 s29, $0x7;
	p1 =	sne.s32 s26, $0x33  }
.Ltmp5:
0x4a: {  	s29 =	sadd.s32 $0x13880, s29;
	(pc) =	sbr.rel @!p1 .LBB2_7-.Ltmp5, $4  }
0x4b: {  	[tilespmem:s29], [sflag:$0x3] =	stream.linear.gather [hbm4b:s28+s4], $0x50, $0x38;
	[tilespmem:$0x16180] =	vst v63  }
0x4c: {  	_ =	swait.ge [sflag:s14], $0x50  }
0x4d: {  	[sflag:s14] =	ssyncset.done $0x0  }
0x4e: {  	s28 =	sadd.s32 $0xA, s28;
	[sflag:s14] =	ssyncadd.s32 $0xFFFFFFB0  }
.LBB2_3:
0x4f: {  	s30 =	sadd.s32 $0xFFFFFFFF, s26  }
0x50: {  	p1 =	seq.s32 s30, $0x0  }
.Ltmp6:
0x51: {  	s29 =	sand.u32 $0x1, s30;
	(pc) =	sbr.rel @p1 .LBB2_6-.Ltmp6, $4  }
0x52: {  	s31 =	sshll.u32 s29, $0x7  }
0x53: {  	s29 =	sadd.s32 $0x1, s29;
	s31 =	sadd.s32 $0x13880, s31  }
0x54: {  	[spmem:s2] =	stream.indirect.scatter.add.f32 [tilespmem:s13], [sflag:s29], $0x80, s31, s19, $0xb8;
	[tilespmem:$0x16180] =	vst v63  }
0x55: {  	s29 =	sand.u32 $0x1, s26  }
0x56: {  	p1 =	seq.s32 s30, $0x31  }
.Ltmp7:
0x57: {  	_ = 	snop;
	(pc) =	sbr.rel @p1 .LBB2_7-.Ltmp7, $1  }
0x58: {  	_ =	sdelay $0x3  }
.Ltmp8:
0x59: {  	(pc) =	sbr.rel .LBB2_6-.Ltmp8, $4  }
0x5a: {  	s30 =	sadd.s32 $0x1, s29  }
0x5b: {  	_ =	swait.ge [sflag:s30], $0x2800  }
0x5c: {  	[sflag:s30] =	ssyncset.done $0x0  }
0x5d: {  	[sflag:s30] =	ssyncadd.s32 $0xFFFFD800  }
.LBB2_9:
0x5e: {  	_ =	sfence.sel $0x180000  }
0x5f: {  	[bflag:$0x0] =	sbarrier.arrive $0xFFFF  }
0x60: {  	p0 =	sne.s32 s3, $0x0;
	_ =	strace $0x90000047  }
0x61: {  	s0 =	sadd.s32 @!p0 $0x100000, s0;
	[bflag:$0x2] =	sbarrier.arrive $0xFFFF  }
0x62: {  	[sflag:s0] =	ssyncadd.tile.s32 @!p0 $0x1;
	_ =	shalt  }
.Lfunc_end2:
_tile_overlayer_lowered:
.L_overlay_start_2:
0x63: {  	(tag) =	ssettag $0x2  }
0x64: {  	s0 =	rddreg [dreg:$0x0];
	s2 =	stileid.u32  }
0x65: {  	s1 =	rddreg [dreg:$0x1];
	p0 =	sne.s32 s2, $0x0  }
0x66: {  	s3 =	rddreg [dreg:$0x2];
	[bflag:$0x3] =	sbarrier.arrive $0xFFFF;
	s2 =	simm.s32 @!p0 $0x1C03  }
0x67: {  	[timem:s3], [sflag:s2] =	dma.local @!p0 [hbm:s0], s1  }
0x68: {  	s0 =	simm.s32 @!p0 $0x3  }
0x69: {  	_ =	swait.ge @!p0 [sflag:s0], s1  }
0x6a: {  	s1 =	ssub.s32 @!p0 $0x0, s1;
	[sflag:s0] =	ssyncset.done @!p0 $0x0  }
0x6b: {  	[sflag:s0] =	ssyncadd.s32 @!p0 s1  }
0x6c: {  	[bflag:$0x3] =	sbarrier.arrive $0xFFFF  }
0x6d: {  	_ =	shalt  }

</sc_bundles>
